<compile_context>
chip_gen: v7x
topology: tpu7x:2x2x1
jax: 0.10.2.dev20260603
libtpu: 0.0.44.dev20260713+nightly
codegen_flags: <defaults>
</compile_context>

<pallas_src>
import functools

import jax
import jax.numpy as jnp
from jax import lax
from jax.experimental import pallas as pl
from jax.experimental.pallas import tpu as pltpu
from jax.experimental.pallas import tpu_sc as plsc

MASK_VALUE = 1000000000.0
NUM_CORES = 2
NUM_SUBCORES = 16
NUM_WORKERS = NUM_CORES * NUM_SUBCORES
LANES = 16
VOCAB = 14
D = 128
CHUNK = 64
NBUF = 8
PREF = 4


@functools.lru_cache(maxsize=None)
def _make_kernel(n_rows):
    rows_per_w = n_rows // NUM_WORKERS
    slots = rows_per_w // CHUNK
    assert n_rows % (NUM_WORKERS * CHUNK) == 0 and slots % NBUF == 0 and slots > 2 * NBUF
    mesh = plsc.VectorSubcoreMesh(core_axis_name="c", subcore_axis_name="s")

    @functools.partial(
        pl.kernel,
        out_type=jax.ShapeDtypeStruct((n_rows // CHUNK, CHUNK, D), jnp.float32),
        mesh=mesh,
        compiler_params=pltpu.CompilerParams(needs_layout_passes=False),
        scratch_types=[
            pltpu.VMEM((slots, CHUNK), jnp.int32),
            pltpu.VMEM((D,), jnp.float32),
            pltpu.VMEM_SHARED((VOCAB, D), jnp.float32),
        ]
        + [pltpu.VMEM((CHUNK, D), jnp.float32)] * NBUF
        + [pltpu.SemaphoreType.DMA] * NBUF
        + [pltpu.SemaphoreType.DMA] * NBUF
        + [pltpu.SemaphoreType.DMA],
    )
    def board_embed(table_hbm, idx_hbm, out_hbm, idx_v, tmask_v, tab_sh, *rest):
        bufs = rest[:NBUF]
        gsems = rest[NBUF : 2 * NBUF]
        ssems = rest[2 * NBUF : 3 * NBUF]
        isem = rest[3 * NBUF]
        sid = lax.axis_index("s")
        wid = sid * NUM_CORES + lax.axis_index("c")
        idx_copy = pltpu.async_copy(idx_hbm.at[wid], idx_v, isem)

        @pl.when(sid < VOCAB)
        def _stage():
            pltpu.sync_copy(table_hbm.at[pl.ds(sid * D, D)], tmask_v)
            chunks = [tmask_v[pl.ds(k * LANES, LANES)] for k in range(D // LANES)]
            ne = jnp.where(chunks[0] != MASK_VALUE, jnp.float32(1.0), jnp.float32(0.0))
            for c in chunks[1:]:
                ne = jnp.maximum(
                    ne, jnp.where(c != MASK_VALUE, jnp.float32(1.0), jnp.float32(0.0))
                )
            keep = jnp.max(ne)
            for k, c in enumerate(chunks):
                tmask_v[pl.ds(k * LANES, LANES)] = c * keep
            pltpu.sync_copy(tmask_v, tab_sh.at[sid])

        plsc.subcore_barrier()
        idx_copy.wait()

        def issue_gather(slot, b):
            pltpu.async_copy(tab_sh.at[idx_v.at[slot]], bufs[b], gsems[b])

        def drain_gather(slot, b):
            pltpu.make_async_copy(tab_sh.at[idx_v.at[slot]], bufs[b], gsems[b]).wait()

        def issue_store(slot, b):
            pltpu.async_copy(bufs[b], out_hbm.at[wid * slots + slot], ssems[b])

        def wait_store(slot, b):
            pltpu.make_async_copy(bufs[b], out_hbm.at[wid * slots + slot], ssems[b]).wait()

        def step(slot, j, first, last):
            drain_gather(slot, j)
            issue_store(slot, j)
            bp = (j + PREF) % NBUF
            if not first:
                wait_store(slot - PREF, bp)
            if not last:
                issue_gather(slot + PREF, bp)

        for j in range(PREF):
            issue_gather(j, j)
        for j in range(NBUF):
            step(j, j, first=(j < PREF), last=False)

        def ring_round(i, carry):
            for j in range(NBUF):
                slot = (i + 1) * NBUF + j
                step(slot, j, first=False, last=False)
            return carry

        lax.fori_loop(0, slots // NBUF - 2, ring_round, 0)

        for j in range(NBUF):
            slot = slots - NBUF + j
            step(slot, j, first=False, last=(j >= NBUF - PREF))
        for j in range(NBUF - PREF, NBUF):
            wait_store(slots - NBUF + j, j)

    return board_embed


def kernel(inputs, table):
    b = inputs.shape[0]
    n_rows = b * 64
    flat = inputs.reshape(NUM_WORKERS, n_rows // (NUM_WORKERS * CHUNK), CHUNK)
    out = _make_kernel(n_rows)(table.reshape(-1), flat)
    return out.reshape(b, 64, D)

# --- scband reference (transcript-rebuilt; emitter-appended) ---
"""Pipeline reference for scband-simple-board-embedding-81406810129196 (READ-ONLY COPY).

The authoritative reference and input builder live on the scoring server;
editing this copy changes nothing except your own understanding.
"""

import jax, jax.numpy as jnp
import numpy as np

BATCH = 4096
BOARD = 8
VOCAB = 14
EMBED_DIM = 128
MASK_VALUE = 1000000000.0


def setup_inputs(seed: int = 0) -> dict:
    key = jax.random.key(seed)
    k_idx, k_tab = jax.random.split(key)
    inputs = jax.random.randint(k_idx, (BATCH, BOARD, BOARD), 0, VOCAB, dtype=jnp.int64 if jax.config.jax_enable_x64 else jnp.int32).astype(jnp.int32)
    table = jax.random.normal(k_tab, (VOCAB, EMBED_DIM), dtype=jnp.float32) * 0.05
    return {"inputs": inputs, "table": table}


def reference(inputs, table):
    # Flatten: [B, 8, 8] -> [B, 64]
    b = inputs.shape[0]
    flat = inputs.reshape(b, -1)
    # Embedding lookup: [B, 64, embed_dim]
    emb = jnp.take(table, flat, axis=0)
    # Keras Masking(mask_value=1e9): zero out timesteps where ALL features equal mask_value
    # (output = input * cast(any(input != mask_value, axis=-1, keepdims=True)))
    keep = jnp.any(jnp.not_equal(emb, MASK_VALUE), axis=-1, keepdims=True)
    out = emb * keep.astype(emb.dtype)
    return out

if __name__ == "__main__":
    import jax
    _d = setup_inputs()
    print(jax.jit(kernel)(*tuple(_d.values())))

</pallas_src>

<mosaic_0001>
#map = affine_map<(d0, d1) -> (0)>
#map1 = affine_map<(d0, d1) -> (0, 0, 0)>
module attributes {stable_mosaic.version = 14 : i64} {
  func.func @board_embed(%arg0: i32, %arg1: i32, %arg2: memref<1792xf32, #tpu.memory_space<hbm>>, %arg3: memref<32x128x64xi32, #tpu.memory_space<hbm>>, %arg4: memref<4096x64x128xf32, #tpu.memory_space<hbm>>, %arg5: memref<128x64xi32, #tpu.memory_space<vmem>>, %arg6: memref<128xf32, #tpu.memory_space<vmem>>, %arg7: memref<14x128xf32, #tpu.memory_space<vmem_shared>>, %arg8: memref<64x128xf32, #tpu.memory_space<vmem>>, %arg9: memref<64x128xf32, #tpu.memory_space<vmem>>, %arg10: memref<64x128xf32, #tpu.memory_space<vmem>>, %arg11: memref<64x128xf32, #tpu.memory_space<vmem>>, %arg12: memref<64x128xf32, #tpu.memory_space<vmem>>, %arg13: memref<64x128xf32, #tpu.memory_space<vmem>>, %arg14: memref<64x128xf32, #tpu.memory_space<vmem>>, %arg15: memref<64x128xf32, #tpu.memory_space<vmem>>, %arg16: memref<!tpu.dma_semaphore, #tpu.memory_space<semaphore_mem>>, %arg17: memref<!tpu.dma_semaphore, #tpu.memory_space<semaphore_mem>>, %arg18: memref<!tpu.dma_semaphore, #tpu.memory_space<semaphore_mem>>, %arg19: memref<!tpu.dma_semaphore, #tpu.memory_space<semaphore_mem>>, %arg20: memref<!tpu.dma_semaphore, #tpu.memory_space<semaphore_mem>>, %arg21: memref<!tpu.dma_semaphore, #tpu.memory_space<semaphore_mem>>, %arg22: memref<!tpu.dma_semaphore, #tpu.memory_space<semaphore_mem>>, %arg23: memref<!tpu.dma_semaphore, #tpu.memory_space<semaphore_mem>>, %arg24: memref<!tpu.dma_semaphore, #tpu.memory_space<semaphore_mem>>, %arg25: memref<!tpu.dma_semaphore, #tpu.memory_space<semaphore_mem>>, %arg26: memref<!tpu.dma_semaphore, #tpu.memory_space<semaphore_mem>>, %arg27: memref<!tpu.dma_semaphore, #tpu.memory_space<semaphore_mem>>, %arg28: memref<!tpu.dma_semaphore, #tpu.memory_space<semaphore_mem>>, %arg29: memref<!tpu.dma_semaphore, #tpu.memory_space<semaphore_mem>>, %arg30: memref<!tpu.dma_semaphore, #tpu.memory_space<semaphore_mem>>, %arg31: memref<!tpu.dma_semaphore, #tpu.memory_space<semaphore_mem>>, %arg32: memref<!tpu.dma_semaphore, #tpu.memory_space<semaphore_mem>>) attributes {dimension_semantics = [#tpu.dimension_semantics<core_parallel>, #tpu.dimension_semantics<subcore_parallel>], iteration_bounds = array<i64: 2, 16>, scalar_prefetch = 0 : i64, scratch_operands = 28 : i64, tpu.core_type = #tpu.core_type<sc_vector_subcore>, window_params = [{transform_indices = #map}, {transform_indices = #map1}, {transform_indices = #map1}]} {
    %mul3A = arith.constant 2 : i32
    %mul3A_0 = arith.muli %arg1, %mul3A : i32
    %add3A = arith.addi %mul3A_0, %arg0 : i32
    %dma_start3A = arith.constant 0 : i32
    %dma_start3A_1 = arith.constant 0 : i32
    %dma_start3A_2 = tpu.memref_slice %arg3[%add3A, %dma_start3A, %dma_start3A_1] : memref<32x128x64xi32, #tpu.memory_space<hbm>> -> memref<1x128x64xi32, #tpu.memory_space<hbm>>
    %dma_start3A_3 = tpu.memref_squeeze %dma_start3A_2 : memref<1x128x64xi32, #tpu.memory_space<hbm>> -> memref<128x64xi32, #tpu.memory_space<hbm>>
    %dma_start3A_4 = arith.constant 0 : i32
    %dma_start3A_5 = arith.constant 0 : i32
    %dma_start3A_6 = tpu.memref_slice %arg3[%add3A, %dma_start3A_4, %dma_start3A_5] : memref<32x128x64xi32, #tpu.memory_space<hbm>> -> memref<1x128x64xi32, #tpu.memory_space<hbm>>
    %dma_start3A_7 = tpu.memref_squeeze %dma_start3A_6 : memref<1x128x64xi32, #tpu.memory_space<hbm>> -> memref<128x64xi32, #tpu.memory_space<hbm>>
    tpu.enqueue_dma source(%dma_start3A_7 : memref<128x64xi32, #tpu.memory_space<hbm>>) target(%arg5 : memref<128x64xi32, #tpu.memory_space<vmem>>) target_semaphore(%arg32 : memref<!tpu.dma_semaphore, #tpu.memory_space<semaphore_mem>>)
    %lt3A = arith.constant 14 : i32
    %lt3A_8 = arith.cmpi slt, %arg1, %lt3A : i32
    %convert_element_type3A = arith.extui %lt3A_8 : i1 to i32
    %cond3A = arith.constant 0 : i32
    %cond3A_9 = arith.cmpi ne, %convert_element_type3A, %cond3A : i32
    scf.if %cond3A_9 {
      %mul3A_630 = arith.constant 128 : i32
      %mul3A_631 = arith.muli %arg1, %mul3A_630 : i32
      "tpu.region"() ({
        %run_scoped3A = tpu.sem_alloc : memref<!tpu.dma_semaphore, #tpu.memory_space<semaphore_mem>>
        %dma_start3A_747 = tpu.memref_slice %arg2[%mul3A_631] : memref<1792xf32, #tpu.memory_space<hbm>> -> memref<128xf32, #tpu.memory_space<hbm>>
        %dma_start3A_748 = tpu.memref_slice %arg2[%mul3A_631] : memref<1792xf32, #tpu.memory_space<hbm>> -> memref<128xf32, #tpu.memory_space<hbm>>
        tpu.enqueue_dma source(%dma_start3A_748 : memref<128xf32, #tpu.memory_space<hbm>>) target(%arg6 : memref<128xf32, #tpu.memory_space<vmem>>) target_semaphore(%run_scoped3A : memref<!tpu.dma_semaphore, #tpu.memory_space<semaphore_mem>>)
        %dma_wait3A_749 = tpu.memref_slice %arg2[%mul3A_631] : memref<1792xf32, #tpu.memory_space<hbm>> -> memref<128xf32, #tpu.memory_space<hbm>>
        %dma_wait3A_750 = tpu.memref_slice %arg2[%mul3A_631] : memref<1792xf32, #tpu.memory_space<hbm>> -> memref<128xf32, #tpu.memory_space<hbm>>
        tpu.wait_dma2 semaphore(%run_scoped3A : memref<!tpu.dma_semaphore, #tpu.memory_space<semaphore_mem>>) src(%dma_wait3A_750 : memref<128xf32, #tpu.memory_space<hbm>>) dst(%arg6 : memref<128xf32, #tpu.memory_space<vmem>>)
        tpu.yield
      }) : () -> ()
      %get3A = arith.constant 0 : index
      %get3A_632 = tpu.vector_load %arg6[%get3A] {strides = array<i32>} : memref<128xf32, #tpu.memory_space<vmem>>, vector<16xf32>,
      %get3A_633 = arith.constant 16 : index
      %get3A_634 = tpu.vector_load %arg6[%get3A_633] {strides = array<i32>} : memref<128xf32, #tpu.memory_space<vmem>>, vector<16xf32>,
      %get3A_635 = arith.constant 32 : index
      %get3A_636 = tpu.vector_load %arg6[%get3A_635] {strides = array<i32>} : memref<128xf32, #tpu.memory_space<vmem>>, vector<16xf32>,
      %get3A_637 = arith.constant 48 : index
      %get3A_638 = tpu.vector_load %arg6[%get3A_637] {strides = array<i32>} : memref<128xf32, #tpu.memory_space<vmem>>, vector<16xf32>,
      %get3A_639 = arith.constant 64 : index
      %get3A_640 = tpu.vector_load %arg6[%get3A_639] {strides = array<i32>} : memref<128xf32, #tpu.memory_space<vmem>>, vector<16xf32>,
      %get3A_641 = arith.constant 80 : index
      %get3A_642 = tpu.vector_load %arg6[%get3A_641] {strides = array<i32>} : memref<128xf32, #tpu.memory_space<vmem>>, vector<16xf32>,
      %get3A_643 = arith.constant 96 : index
      %get3A_644 = tpu.vector_load %arg6[%get3A_643] {strides = array<i32>} : memref<128xf32, #tpu.memory_space<vmem>>, vector<16xf32>,
      %get3A_645 = arith.constant 112 : index
      %get3A_646 = tpu.vector_load %arg6[%get3A_645] {strides = array<i32>} : memref<128xf32, #tpu.memory_space<vmem>>, vector<16xf32>,
      %ne3A = arith.constant 1.000000e+09 : f32
      %ne3A_647 = vector.broadcast %ne3A : f32 to vector<16xf32>
      %ne3A_648 = arith.cmpf one, %get3A_632, %ne3A_647 : vector<16xf32>
      %jit3A = arith.constant 1.000000e+00 : f32
      %jit3A_649 = arith.constant 0.000000e+00 : f32
      %broadcast_in_dim3A = vector.broadcast %jit3A : f32 to vector<16xf32>
      %broadcast_in_dim3A_650 = vector.broadcast %jit3A_649 : f32 to vector<16xf32>
      %select_n3A = arith.select %ne3A_648, %broadcast_in_dim3A, %broadcast_in_dim3A_650 : vector<16xi1>, vector<16xf32>
      %ne3A_651 = arith.constant 1.000000e+09 : f32
      %ne3A_652 = vector.broadcast %ne3A_651 : f32 to vector<16xf32>
      %ne3A_653 = arith.cmpf one, %get3A_634, %ne3A_652 : vector<16xf32>
      %jit3A_654 = arith.constant 1.000000e+00 : f32
      %jit3A_655 = arith.constant 0.000000e+00 : f32
      %broadcast_in_dim3A_656 = vector.broadcast %jit3A_654 : f32 to vector<16xf32>
      %broadcast_in_dim3A_657 = vector.broadcast %jit3A_655 : f32 to vector<16xf32>
      %select_n3A_658 = arith.select %ne3A_653, %broadcast_in_dim3A_656, %broadcast_in_dim3A_657 : vector<16xi1>, vector<16xf32>
      %max3A = arith.maximumf %select_n3A, %select_n3A_658 : vector<16xf32>
      %ne3A_659 = arith.constant 1.000000e+09 : f32
      %ne3A_660 = vector.broadcast %ne3A_659 : f32 to vector<16xf32>
      %ne3A_661 = arith.cmpf one, %get3A_636, %ne3A_660 : vector<16xf32>
      %jit3A_662 = arith.constant 1.000000e+00 : f32
      %jit3A_663 = arith.constant 0.000000e+00 : f32
      %broadcast_in_dim3A_664 = vector.broadcast %jit3A_662 : f32 to vector<16xf32>
      %broadcast_in_dim3A_665 = vector.broadcast %jit3A_663 : f32 to vector<16xf32>
      %select_n3A_666 = arith.select %ne3A_661, %broadcast_in_dim3A_664, %broadcast_in_dim3A_665 : vector<16xi1>, vector<16xf32>
      %max3A_667 = arith.maximumf %max3A, %select_n3A_666 : vector<16xf32>
      %ne3A_668 = arith.constant 1.000000e+09 : f32
      %ne3A_669 = vector.broadcast %ne3A_668 : f32 to vector<16xf32>
      %ne3A_670 = arith.cmpf one, %get3A_638, %ne3A_669 : vector<16xf32>
      %jit3A_671 = arith.constant 1.000000e+00 : f32
      %jit3A_672 = arith.constant 0.000000e+00 : f32
      %broadcast_in_dim3A_673 = vector.broadcast %jit3A_671 : f32 to vector<16xf32>
      %broadcast_in_dim3A_674 = vector.broadcast %jit3A_672 : f32 to vector<16xf32>
      %select_n3A_675 = arith.select %ne3A_670, %broadcast_in_dim3A_673, %broadcast_in_dim3A_674 : vector<16xi1>, vector<16xf32>
      %max3A_676 = arith.maximumf %max3A_667, %select_n3A_675 : vector<16xf32>
      %ne3A_677 = arith.constant 1.000000e+09 : f32
      %ne3A_678 = vector.broadcast %ne3A_677 : f32 to vector<16xf32>
      %ne3A_679 = arith.cmpf one, %get3A_640, %ne3A_678 : vector<16xf32>
      %jit3A_680 = arith.constant 1.000000e+00 : f32
      %jit3A_681 = arith.constant 0.000000e+00 : f32
      %broadcast_in_dim3A_682 = vector.broadcast %jit3A_680 : f32 to vector<16xf32>
      %broadcast_in_dim3A_683 = vector.broadcast %jit3A_681 : f32 to vector<16xf32>
      %select_n3A_684 = arith.select %ne3A_679, %broadcast_in_dim3A_682, %broadcast_in_dim3A_683 : vector<16xi1>, vector<16xf32>
      %max3A_685 = arith.maximumf %max3A_676, %select_n3A_684 : vector<16xf32>
      %ne3A_686 = arith.constant 1.000000e+09 : f32
      %ne3A_687 = vector.broadcast %ne3A_686 : f32 to vector<16xf32>
      %ne3A_688 = arith.cmpf one, %get3A_642, %ne3A_687 : vector<16xf32>
      %jit3A_689 = arith.constant 1.000000e+00 : f32
      %jit3A_690 = arith.constant 0.000000e+00 : f32
      %broadcast_in_dim3A_691 = vector.broadcast %jit3A_689 : f32 to vector<16xf32>
      %broadcast_in_dim3A_692 = vector.broadcast %jit3A_690 : f32 to vector<16xf32>
      %select_n3A_693 = arith.select %ne3A_688, %broadcast_in_dim3A_691, %broadcast_in_dim3A_692 : vector<16xi1>, vector<16xf32>
      %max3A_694 = arith.maximumf %max3A_685, %select_n3A_693 : vector<16xf32>
      %ne3A_695 = arith.constant 1.000000e+09 : f32
      %ne3A_696 = vector.broadcast %ne3A_695 : f32 to vector<16xf32>
      %ne3A_697 = arith.cmpf one, %get3A_644, %ne3A_696 : vector<16xf32>
      %jit3A_698 = arith.constant 1.000000e+00 : f32
      %jit3A_699 = arith.constant 0.000000e+00 : f32
      %broadcast_in_dim3A_700 = vector.broadcast %jit3A_698 : f32 to vector<16xf32>
      %broadcast_in_dim3A_701 = vector.broadcast %jit3A_699 : f32 to vector<16xf32>
      %select_n3A_702 = arith.select %ne3A_697, %broadcast_in_dim3A_700, %broadcast_in_dim3A_701 : vector<16xi1>, vector<16xf32>
      %max3A_703 = arith.maximumf %max3A_694, %select_n3A_702 : vector<16xf32>
      %ne3A_704 = arith.constant 1.000000e+09 : f32
      %ne3A_705 = vector.broadcast %ne3A_704 : f32 to vector<16xf32>
      %ne3A_706 = arith.cmpf one, %get3A_646, %ne3A_705 : vector<16xf32>
      %jit3A_707 = arith.constant 1.000000e+00 : f32
      %jit3A_708 = arith.constant 0.000000e+00 : f32
      %broadcast_in_dim3A_709 = vector.broadcast %jit3A_707 : f32 to vector<16xf32>
      %broadcast_in_dim3A_710 = vector.broadcast %jit3A_708 : f32 to vector<16xf32>
      %select_n3A_711 = arith.select %ne3A_706, %broadcast_in_dim3A_709, %broadcast_in_dim3A_710 : vector<16xi1>, vector<16xf32>
      %max3A_712 = arith.maximumf %max3A_703, %select_n3A_711 : vector<16xf32>
      %reduce_max3A = arith.constant true
      %reduce_max3A_713 = vector.broadcast %reduce_max3A : i1 to vector<16xi1>
      %reduce_max3A_714 = tpu.scan <max>, %max3A_712 masked %reduce_max3A_713 : vector<16xf32>, vector<16xi1> -> vector<16xf32>
      %reduce_max3A_715 = vector.extract %reduce_max3A_714[15] : f32 from vector<16xf32>
      %mul3A_716 = vector.broadcast %reduce_max3A_715 : f32 to vector<16xf32>
      %mul3A_717 = arith.mulf %get3A_632, %mul3A_716 : vector<16xf32>
      %swap3A = arith.constant 0 : index
      %swap3A_718 = tpu.vector_load %arg6[%swap3A] {strides = array<i32>} : memref<128xf32, #tpu.memory_space<vmem>>, vector<16xf32>,
      tpu.vector_store %arg6[%swap3A], %mul3A_717 {strides = array<i32>} : memref<128xf32, #tpu.memory_space<vmem>>, vector<16xf32>,
      %mul3A_719 = vector.broadcast %reduce_max3A_715 : f32 to vector<16xf32>
      %mul3A_720 = arith.mulf %get3A_634, %mul3A_719 : vector<16xf32>
      %swap3A_721 = arith.constant 16 : index
      %swap3A_722 = tpu.vector_load %arg6[%swap3A_721] {strides = array<i32>} : memref<128xf32, #tpu.memory_space<vmem>>, vector<16xf32>,
      tpu.vector_store %arg6[%swap3A_721], %mul3A_720 {strides = array<i32>} : memref<128xf32, #tpu.memory_space<vmem>>, vector<16xf32>,
      %mul3A_723 = vector.broadcast %reduce_max3A_715 : f32 to vector<16xf32>
      %mul3A_724 = arith.mulf %get3A_636, %mul3A_723 : vector<16xf32>
      %swap3A_725 = arith.constant 32 : index
      %swap3A_726 = tpu.vector_load %arg6[%swap3A_725] {strides = array<i32>} : memref<128xf32, #tpu.memory_space<vmem>>, vector<16xf32>,
      tpu.vector_store %arg6[%swap3A_725], %mul3A_724 {strides = array<i32>} : memref<128xf32, #tpu.memory_space<vmem>>, vector<16xf32>,
      %mul3A_727 = vector.broadcast %reduce_max3A_715 : f32 to vector<16xf32>
      %mul3A_728 = arith.mulf %get3A_638, %mul3A_727 : vector<16xf32>
      %swap3A_729 = arith.constant 48 : index
      %swap3A_730 = tpu.vector_load %arg6[%swap3A_729] {strides = array<i32>} : memref<128xf32, #tpu.memory_space<vmem>>, vector<16xf32>,
      tpu.vector_store %arg6[%swap3A_729], %mul3A_728 {strides = array<i32>} : memref<128xf32, #tpu.memory_space<vmem>>, vector<16xf32>,
      %mul3A_731 = vector.broadcast %reduce_max3A_715 : f32 to vector<16xf32>
      %mul3A_732 = arith.mulf %get3A_640, %mul3A_731 : vector<16xf32>
      %swap3A_733 = arith.constant 64 : index
      %swap3A_734 = tpu.vector_load %arg6[%swap3A_733] {strides = array<i32>} : memref<128xf32, #tpu.memory_space<vmem>>, vector<16xf32>,
      tpu.vector_store %arg6[%swap3A_733], %mul3A_732 {strides = array<i32>} : memref<128xf32, #tpu.memory_space<vmem>>, vector<16xf32>,
      %mul3A_735 = vector.broadcast %reduce_max3A_715 : f32 to vector<16xf32>
      %mul3A_736 = arith.mulf %get3A_642, %mul3A_735 : vector<16xf32>
      %swap3A_737 = arith.constant 80 : index
      %swap3A_738 = tpu.vector_load %arg6[%swap3A_737] {strides = array<i32>} : memref<128xf32, #tpu.memory_space<vmem>>, vector<16xf32>,
      tpu.vector_store %arg6[%swap3A_737], %mul3A_736 {strides = array<i32>} : memref<128xf32, #tpu.memory_space<vmem>>, vector<16xf32>,
      %mul3A_739 = vector.broadcast %reduce_max3A_715 : f32 to vector<16xf32>
      %mul3A_740 = arith.mulf %get3A_644, %mul3A_739 : vector<16xf32>
      %swap3A_741 = arith.constant 96 : index
      %swap3A_742 = tpu.vector_load %arg6[%swap3A_741] {strides = array<i32>} : memref<128xf32, #tpu.memory_space<vmem>>, vector<16xf32>,
      tpu.vector_store %arg6[%swap3A_741], %mul3A_740 {strides = array<i32>} : memref<128xf32, #tpu.memory_space<vmem>>, vector<16xf32>,
      %mul3A_743 = vector.broadcast %reduce_max3A_715 : f32 to vector<16xf32>
      %mul3A_744 = arith.mulf %get3A_646, %mul3A_743 : vector<16xf32>
      %swap3A_745 = arith.constant 112 : index
      %swap3A_746 = tpu.vector_load %arg6[%swap3A_745] {strides = array<i32>} : memref<128xf32, #tpu.memory_space<vmem>>, vector<16xf32>,
      tpu.vector_store %arg6[%swap3A_745], %mul3A_744 {strides = array<i32>} : memref<128xf32, #tpu.memory_space<vmem>>, vector<16xf32>,
      "tpu.region"() ({
        %run_scoped3A = tpu.sem_alloc : memref<!tpu.dma_semaphore, #tpu.memory_space<semaphore_mem>>
        %dma_start3A_747 = arith.constant 0 : i32
        %dma_start3A_748 = tpu.memref_slice %arg7[%arg1, %dma_start3A_747] : memref<14x128xf32, #tpu.memory_space<vmem_shared>> -> memref<1x128xf32, #tpu.memory_space<vmem_shared>>
        %dma_start3A_749 = tpu.memref_squeeze %dma_start3A_748 : memref<1x128xf32, #tpu.memory_space<vmem_shared>> -> memref<128xf32, #tpu.memory_space<vmem_shared>>
        %dma_start3A_750 = arith.constant 0 : i32
        %dma_start3A_751 = tpu.memref_slice %arg7[%arg1, %dma_start3A_750] : memref<14x128xf32, #tpu.memory_space<vmem_shared>> -> memref<1x128xf32, #tpu.memory_space<vmem_shared>>
        %dma_start3A_752 = tpu.memref_squeeze %dma_start3A_751 : memref<1x128xf32, #tpu.memory_space<vmem_shared>> -> memref<128xf32, #tpu.memory_space<vmem_shared>>
        tpu.enqueue_dma source(%arg6 : memref<128xf32, #tpu.memory_space<vmem>>) target(%dma_start3A_752 : memref<128xf32, #tpu.memory_space<vmem_shared>>) target_semaphore(%run_scoped3A : memref<!tpu.dma_semaphore, #tpu.memory_space<semaphore_mem>>)
        %dma_wait3A_753 = arith.constant 0 : i32
        %dma_wait3A_754 = tpu.memref_slice %arg7[%arg1, %dma_wait3A_753] : memref<14x128xf32, #tpu.memory_space<vmem_shared>> -> memref<1x128xf32, #tpu.memory_space<vmem_shared>>
        %dma_wait3A_755 = tpu.memref_squeeze %dma_wait3A_754 : memref<1x128xf32, #tpu.memory_space<vmem_shared>> -> memref<128xf32, #tpu.memory_space<vmem_shared>>
        %dma_wait3A_756 = arith.constant 0 : i32
        %dma_wait3A_757 = tpu.memref_slice %arg7[%arg1, %dma_wait3A_756] : memref<14x128xf32, #tpu.memory_space<vmem_shared>> -> memref<1x128xf32, #tpu.memory_space<vmem_shared>>
        %dma_wait3A_758 = tpu.memref_squeeze %dma_wait3A_757 : memref<1x128xf32, #tpu.memory_space<vmem_shared>> -> memref<128xf32, #tpu.memory_space<vmem_shared>>
        tpu.wait_dma2 semaphore(%run_scoped3A : memref<!tpu.dma_semaphore, #tpu.memory_space<semaphore_mem>>) src(%arg6 : memref<128xf32, #tpu.memory_space<vmem>>) dst(%dma_wait3A_758 : memref<128xf32, #tpu.memory_space<vmem_shared>>)
        tpu.yield
      }) : () -> ()
    } else {
    }
    %barrier3A = arith.constant 0 : index
    tpu.barrier barrier_id(%barrier3A)
    %dma_wait3A = arith.constant 0 : i32
    %dma_wait3A_10 = arith.constant 0 : i32
    %dma_wait3A_11 = tpu.memref_slice %arg3[%add3A, %dma_wait3A, %dma_wait3A_10] : memref<32x128x64xi32, #tpu.memory_space<hbm>> -> memref<1x128x64xi32, #tpu.memory_space<hbm>>
    %dma_wait3A_12 = tpu.memref_squeeze %dma_wait3A_11 : memref<1x128x64xi32, #tpu.memory_space<hbm>> -> memref<128x64xi32, #tpu.memory_space<hbm>>
    %dma_wait3A_13 = arith.constant 0 : i32
    %dma_wait3A_14 = arith.constant 0 : i32
    %dma_wait3A_15 = tpu.memref_slice %arg3[%add3A, %dma_wait3A_13, %dma_wait3A_14] : memref<32x128x64xi32, #tpu.memory_space<hbm>> -> memref<1x128x64xi32, #tpu.memory_space<hbm>>
    %dma_wait3A_16 = tpu.memref_squeeze %dma_wait3A_15 : memref<1x128x64xi32, #tpu.memory_space<hbm>> -> memref<128x64xi32, #tpu.memory_space<hbm>>
    tpu.wait_dma2 semaphore(%arg32 : memref<!tpu.dma_semaphore, #tpu.memory_space<semaphore_mem>>) src(%dma_wait3A_16 : memref<128x64xi32, #tpu.memory_space<hbm>>) dst(%arg5 : memref<128x64xi32, #tpu.memory_space<vmem>>)
    %dma_start3A_17 = arith.constant 0 : i32
    %dma_start3A_18 = arith.constant 0 : i32
    %dma_start3A_19 = tpu.memref_slice %arg5[%dma_start3A_17, %dma_start3A_18] : memref<128x64xi32, #tpu.memory_space<vmem>> -> memref<1x64xi32, #tpu.memory_space<vmem>>
    %dma_start3A_20 = tpu.memref_squeeze %dma_start3A_19 : memref<1x64xi32, #tpu.memory_space<vmem>> -> memref<64xi32, #tpu.memory_space<vmem>>
    %dma_start3A_21 = arith.constant 0 : i32
    %dma_start3A_22 = arith.constant 0 : i32
    %dma_start3A_23 = tpu.memref_slice %arg7[%dma_start3A_21, %dma_start3A_22] : memref<14x128xf32, #tpu.memory_space<vmem_shared>> -> memref<14x128xf32, #tpu.memory_space<vmem_shared>>
    tpu.enqueue_indirect_dma source(%dma_start3A_23 : memref<14x128xf32, #tpu.memory_space<vmem_shared>>) target(%arg8 : memref<64x128xf32, #tpu.memory_space<vmem>>) offsets(%dma_start3A_20 : memref<64xi32, #tpu.memory_space<vmem>>) semaphore(%arg16 : memref<!tpu.dma_semaphore, #tpu.memory_space<semaphore_mem>>)
    %dma_start3A_24 = arith.constant 1 : i32
    %dma_start3A_25 = arith.constant 0 : i32
    %dma_start3A_26 = tpu.memref_slice %arg5[%dma_start3A_24, %dma_start3A_25] : memref<128x64xi32, #tpu.memory_space<vmem>> -> memref<1x64xi32, #tpu.memory_space<vmem>>
    %dma_start3A_27 = tpu.memref_squeeze %dma_start3A_26 : memref<1x64xi32, #tpu.memory_space<vmem>> -> memref<64xi32, #tpu.memory_space<vmem>>
    %dma_start3A_28 = arith.constant 0 : i32
    %dma_start3A_29 = arith.constant 0 : i32
    %dma_start3A_30 = tpu.memref_slice %arg7[%dma_start3A_28, %dma_start3A_29] : memref<14x128xf32, #tpu.memory_space<vmem_shared>> -> memref<14x128xf32, #tpu.memory_space<vmem_shared>>
    tpu.enqueue_indirect_dma source(%dma_start3A_30 : memref<14x128xf32, #tpu.memory_space<vmem_shared>>) target(%arg9 : memref<64x128xf32, #tpu.memory_space<vmem>>) offsets(%dma_start3A_27 : memref<64xi32, #tpu.memory_space<vmem>>) semaphore(%arg17 : memref<!tpu.dma_semaphore, #tpu.memory_space<semaphore_mem>>)
    %dma_start3A_31 = arith.constant 2 : i32
    %dma_start3A_32 = arith.constant 0 : i32
    %dma_start3A_33 = tpu.memref_slice %arg5[%dma_start3A_31, %dma_start3A_32] : memref<128x64xi32, #tpu.memory_space<vmem>> -> memref<1x64xi32, #tpu.memory_space<vmem>>
    %dma_start3A_34 = tpu.memref_squeeze %dma_start3A_33 : memref<1x64xi32, #tpu.memory_space<vmem>> -> memref<64xi32, #tpu.memory_space<vmem>>
    %dma_start3A_35 = arith.constant 0 : i32
    %dma_start3A_36 = arith.constant 0 : i32
    %dma_start3A_37 = tpu.memref_slice %arg7[%dma_start3A_35, %dma_start3A_36] : memref<14x128xf32, #tpu.memory_space<vmem_shared>> -> memref<14x128xf32, #tpu.memory_space<vmem_shared>>
    tpu.enqueue_indirect_dma source(%dma_start3A_37 : memref<14x128xf32, #tpu.memory_space<vmem_shared>>) target(%arg10 : memref<64x128xf32, #tpu.memory_space<vmem>>) offsets(%dma_start3A_34 : memref<64xi32, #tpu.memory_space<vmem>>) semaphore(%arg18 : memref<!tpu.dma_semaphore, #tpu.memory_space<semaphore_mem>>)
    %dma_start3A_38 = arith.constant 3 : i32
    %dma_start3A_39 = arith.constant 0 : i32
    %dma_start3A_40 = tpu.memref_slice %arg5[%dma_start3A_38, %dma_start3A_39] : memref<128x64xi32, #tpu.memory_space<vmem>> -> memref<1x64xi32, #tpu.memory_space<vmem>>
    %dma_start3A_41 = tpu.memref_squeeze %dma_start3A_40 : memref<1x64xi32, #tpu.memory_space<vmem>> -> memref<64xi32, #tpu.memory_space<vmem>>
    %dma_start3A_42 = arith.constant 0 : i32
    %dma_start3A_43 = arith.constant 0 : i32
    %dma_start3A_44 = tpu.memref_slice %arg7[%dma_start3A_42, %dma_start3A_43] : memref<14x128xf32, #tpu.memory_space<vmem_shared>> -> memref<14x128xf32, #tpu.memory_space<vmem_shared>>
    tpu.enqueue_indirect_dma source(%dma_start3A_44 : memref<14x128xf32, #tpu.memory_space<vmem_shared>>) target(%arg11 : memref<64x128xf32, #tpu.memory_space<vmem>>) offsets(%dma_start3A_41 : memref<64xi32, #tpu.memory_space<vmem>>) semaphore(%arg19 : memref<!tpu.dma_semaphore, #tpu.memory_space<semaphore_mem>>)
    %dma_wait3A_45 = arith.constant 0 : i32
    %dma_wait3A_46 = arith.constant 0 : i32
    %dma_wait3A_47 = tpu.memref_slice %arg5[%dma_wait3A_45, %dma_wait3A_46] : memref<128x64xi32, #tpu.memory_space<vmem>> -> memref<1x64xi32, #tpu.memory_space<vmem>>
    %dma_wait3A_48 = tpu.memref_squeeze %dma_wait3A_47 : memref<1x64xi32, #tpu.memory_space<vmem>> -> memref<64xi32, #tpu.memory_space<vmem>>
    %dma_wait3A_49 = arith.constant 0 : i32
    %dma_wait3A_50 = arith.constant 0 : i32
    %dma_wait3A_51 = tpu.memref_slice %arg7[%dma_wait3A_49, %dma_wait3A_50] : memref<14x128xf32, #tpu.memory_space<vmem_shared>> -> memref<14x128xf32, #tpu.memory_space<vmem_shared>>
    tpu.wait_indirect_dma semaphore(%arg16 : memref<!tpu.dma_semaphore, #tpu.memory_space<semaphore_mem>>) src(%dma_wait3A_51 : memref<14x128xf32, #tpu.memory_space<vmem_shared>>) dst(%arg8 : memref<64x128xf32, #tpu.memory_space<vmem>>)
    %mul3A_52 = arith.constant 128 : i32
    %mul3A_53 = arith.muli %add3A, %mul3A_52 : i32
    %add3A_54 = arith.constant 0 : i32
    %add3A_55 = arith.addi %mul3A_53, %add3A_54 : i32
    %dma_start3A_56 = arith.constant 0 : i32
    %dma_start3A_57 = arith.constant 0 : i32
    %dma_start3A_58 = tpu.memref_slice %arg4[%add3A_55, %dma_start3A_56, %dma_start3A_57] : memref<4096x64x128xf32, #tpu.memory_space<hbm>> -> memref<1x64x128xf32, #tpu.memory_space<hbm>>
    %dma_start3A_59 = tpu.memref_squeeze %dma_start3A_58 : memref<1x64x128xf32, #tpu.memory_space<hbm>> -> memref<64x128xf32, #tpu.memory_space<hbm>>
    %dma_start3A_60 = arith.constant 0 : i32
    %dma_start3A_61 = arith.constant 0 : i32
    %dma_start3A_62 = tpu.memref_slice %arg4[%add3A_55, %dma_start3A_60, %dma_start3A_61] : memref<4096x64x128xf32, #tpu.memory_space<hbm>> -> memref<1x64x128xf32, #tpu.memory_space<hbm>>
    %dma_start3A_63 = tpu.memref_squeeze %dma_start3A_62 : memref<1x64x128xf32, #tpu.memory_space<hbm>> -> memref<64x128xf32, #tpu.memory_space<hbm>>
    tpu.enqueue_dma source(%arg8 : memref<64x128xf32, #tpu.memory_space<vmem>>) target(%dma_start3A_63 : memref<64x128xf32, #tpu.memory_space<hbm>>) target_semaphore(%arg24 : memref<!tpu.dma_semaphore, #tpu.memory_space<semaphore_mem>>)
    %dma_start3A_64 = arith.constant 4 : i32
    %dma_start3A_65 = arith.constant 0 : i32
    %dma_start3A_66 = tpu.memref_slice %arg5[%dma_start3A_64, %dma_start3A_65] : memref<128x64xi32, #tpu.memory_space<vmem>> -> memref<1x64xi32, #tpu.memory_space<vmem>>
    %dma_start3A_67 = tpu.memref_squeeze %dma_start3A_66 : memref<1x64xi32, #tpu.memory_space<vmem>> -> memref<64xi32, #tpu.memory_space<vmem>>
    %dma_start3A_68 = arith.constant 0 : i32
    %dma_start3A_69 = arith.constant 0 : i32
    %dma_start3A_70 = tpu.memref_slice %arg7[%dma_start3A_68, %dma_start3A_69] : memref<14x128xf32, #tpu.memory_space<vmem_shared>> -> memref<14x128xf32, #tpu.memory_space<vmem_shared>>
    tpu.enqueue_indirect_dma source(%dma_start3A_70 : memref<14x128xf32, #tpu.memory_space<vmem_shared>>) target(%arg12 : memref<64x128xf32, #tpu.memory_space<vmem>>) offsets(%dma_start3A_67 : memref<64xi32, #tpu.memory_space<vmem>>) semaphore(%arg20 : memref<!tpu.dma_semaphore, #tpu.memory_space<semaphore_mem>>)
    %dma_wait3A_71 = arith.constant 1 : i32
    %dma_wait3A_72 = arith.constant 0 : i32
    %dma_wait3A_73 = tpu.memref_slice %arg5[%dma_wait3A_71, %dma_wait3A_72] : memref<128x64xi32, #tpu.memory_space<vmem>> -> memref<1x64xi32, #tpu.memory_space<vmem>>
    %dma_wait3A_74 = tpu.memref_squeeze %dma_wait3A_73 : memref<1x64xi32, #tpu.memory_space<vmem>> -> memref<64xi32, #tpu.memory_space<vmem>>
    %dma_wait3A_75 = arith.constant 0 : i32
    %dma_wait3A_76 = arith.constant 0 : i32
    %dma_wait3A_77 = tpu.memref_slice %arg7[%dma_wait3A_75, %dma_wait3A_76] : memref<14x128xf32, #tpu.memory_space<vmem_shared>> -> memref<14x128xf32, #tpu.memory_space<vmem_shared>>
    tpu.wait_indirect_dma semaphore(%arg17 : memref<!tpu.dma_semaphore, #tpu.memory_space<semaphore_mem>>) src(%dma_wait3A_77 : memref<14x128xf32, #tpu.memory_space<vmem_shared>>) dst(%arg9 : memref<64x128xf32, #tpu.memory_space<vmem>>)
    %mul3A_78 = arith.constant 128 : i32
    %mul3A_79 = arith.muli %add3A, %mul3A_78 : i32
    %add3A_80 = arith.constant 1 : i32
    %add3A_81 = arith.addi %mul3A_79, %add3A_80 : i32
    %dma_start3A_82 = arith.constant 0 : i32
    %dma_start3A_83 = arith.constant 0 : i32
    %dma_start3A_84 = tpu.memref_slice %arg4[%add3A_81, %dma_start3A_82, %dma_start3A_83] : memref<4096x64x128xf32, #tpu.memory_space<hbm>> -> memref<1x64x128xf32, #tpu.memory_space<hbm>>
    %dma_start3A_85 = tpu.memref_squeeze %dma_start3A_84 : memref<1x64x128xf32, #tpu.memory_space<hbm>> -> memref<64x128xf32, #tpu.memory_space<hbm>>
    %dma_start3A_86 = arith.constant 0 : i32
    %dma_start3A_87 = arith.constant 0 : i32
    %dma_start3A_88 = tpu.memref_slice %arg4[%add3A_81, %dma_start3A_86, %dma_start3A_87] : memref<4096x64x128xf32, #tpu.memory_space<hbm>> -> memref<1x64x128xf32, #tpu.memory_space<hbm>>
    %dma_start3A_89 = tpu.memref_squeeze %dma_start3A_88 : memref<1x64x128xf32, #tpu.memory_space<hbm>> -> memref<64x128xf32, #tpu.memory_space<hbm>>
    tpu.enqueue_dma source(%arg9 : memref<64x128xf32, #tpu.memory_space<vmem>>) target(%dma_start3A_89 : memref<64x128xf32, #tpu.memory_space<hbm>>) target_semaphore(%arg25 : memref<!tpu.dma_semaphore, #tpu.memory_space<semaphore_mem>>)
    %dma_start3A_90 = arith.constant 5 : i32
    %dma_start3A_91 = arith.constant 0 : i32
    %dma_start3A_92 = tpu.memref_slice %arg5[%dma_start3A_90, %dma_start3A_91] : memref<128x64xi32, #tpu.memory_space<vmem>> -> memref<1x64xi32, #tpu.memory_space<vmem>>
    %dma_start3A_93 = tpu.memref_squeeze %dma_start3A_92 : memref<1x64xi32, #tpu.memory_space<vmem>> -> memref<64xi32, #tpu.memory_space<vmem>>
    %dma_start3A_94 = arith.constant 0 : i32
    %dma_start3A_95 = arith.constant 0 : i32
    %dma_start3A_96 = tpu.memref_slice %arg7[%dma_start3A_94, %dma_start3A_95] : memref<14x128xf32, #tpu.memory_space<vmem_shared>> -> memref<14x128xf32, #tpu.memory_space<vmem_shared>>
    tpu.enqueue_indirect_dma source(%dma_start3A_96 : memref<14x128xf32, #tpu.memory_space<vmem_shared>>) target(%arg13 : memref<64x128xf32, #tpu.memory_space<vmem>>) offsets(%dma_start3A_93 : memref<64xi32, #tpu.memory_space<vmem>>) semaphore(%arg21 : memref<!tpu.dma_semaphore, #tpu.memory_space<semaphore_mem>>)
    %dma_wait3A_97 = arith.constant 2 : i32
    %dma_wait3A_98 = arith.constant 0 : i32
    %dma_wait3A_99 = tpu.memref_slice %arg5[%dma_wait3A_97, %dma_wait3A_98] : memref<128x64xi32, #tpu.memory_space<vmem>> -> memref<1x64xi32, #tpu.memory_space<vmem>>
    %dma_wait3A_100 = tpu.memref_squeeze %dma_wait3A_99 : memref<1x64xi32, #tpu.memory_space<vmem>> -> memref<64xi32, #tpu.memory_space<vmem>>
    %dma_wait3A_101 = arith.constant 0 : i32
    %dma_wait3A_102 = arith.constant 0 : i32
    %dma_wait3A_103 = tpu.memref_slice %arg7[%dma_wait3A_101, %dma_wait3A_102] : memref<14x128xf32, #tpu.memory_space<vmem_shared>> -> memref<14x128xf32, #tpu.memory_space<vmem_shared>>
    tpu.wait_indirect_dma semaphore(%arg18 : memref<!tpu.dma_semaphore, #tpu.memory_space<semaphore_mem>>) src(%dma_wait3A_103 : memref<14x128xf32, #tpu.memory_space<vmem_shared>>) dst(%arg10 : memref<64x128xf32, #tpu.memory_space<vmem>>)
    %mul3A_104 = arith.constant 128 : i32
    %mul3A_105 = arith.muli %add3A, %mul3A_104 : i32
    %add3A_106 = arith.constant 2 : i32
    %add3A_107 = arith.addi %mul3A_105, %add3A_106 : i32
    %dma_start3A_108 = arith.constant 0 : i32
    %dma_start3A_109 = arith.constant 0 : i32
    %dma_start3A_110 = tpu.memref_slice %arg4[%add3A_107, %dma_start3A_108, %dma_start3A_109] : memref<4096x64x128xf32, #tpu.memory_space<hbm>> -> memref<1x64x128xf32, #tpu.memory_space<hbm>>
    %dma_start3A_111 = tpu.memref_squeeze %dma_start3A_110 : memref<1x64x128xf32, #tpu.memory_space<hbm>> -> memref<64x128xf32, #tpu.memory_space<hbm>>
    %dma_start3A_112 = arith.constant 0 : i32
    %dma_start3A_113 = arith.constant 0 : i32
    %dma_start3A_114 = tpu.memref_slice %arg4[%add3A_107, %dma_start3A_112, %dma_start3A_113] : memref<4096x64x128xf32, #tpu.memory_space<hbm>> -> memref<1x64x128xf32, #tpu.memory_space<hbm>>
    %dma_start3A_115 = tpu.memref_squeeze %dma_start3A_114 : memref<1x64x128xf32, #tpu.memory_space<hbm>> -> memref<64x128xf32, #tpu.memory_space<hbm>>
    tpu.enqueue_dma source(%arg10 : memref<64x128xf32, #tpu.memory_space<vmem>>) target(%dma_start3A_115 : memref<64x128xf32, #tpu.memory_space<hbm>>) target_semaphore(%arg26 : memref<!tpu.dma_semaphore, #tpu.memory_space<semaphore_mem>>)
    %dma_start3A_116 = arith.constant 6 : i32
    %dma_start3A_117 = arith.constant 0 : i32
    %dma_start3A_118 = tpu.memref_slice %arg5[%dma_start3A_116, %dma_start3A_117] : memref<128x64xi32, #tpu.memory_space<vmem>> -> memref<1x64xi32, #tpu.memory_space<vmem>>
    %dma_start3A_119 = tpu.memref_squeeze %dma_start3A_118 : memref<1x64xi32, #tpu.memory_space<vmem>> -> memref<64xi32, #tpu.memory_space<vmem>>
    %dma_start3A_120 = arith.constant 0 : i32
    %dma_start3A_121 = arith.constant 0 : i32
    %dma_start3A_122 = tpu.memref_slice %arg7[%dma_start3A_120, %dma_start3A_121] : memref<14x128xf32, #tpu.memory_space<vmem_shared>> -> memref<14x128xf32, #tpu.memory_space<vmem_shared>>
    tpu.enqueue_indirect_dma source(%dma_start3A_122 : memref<14x128xf32, #tpu.memory_space<vmem_shared>>) target(%arg14 : memref<64x128xf32, #tpu.memory_space<vmem>>) offsets(%dma_start3A_119 : memref<64xi32, #tpu.memory_space<vmem>>) semaphore(%arg22 : memref<!tpu.dma_semaphore, #tpu.memory_space<semaphore_mem>>)
    %dma_wait3A_123 = arith.constant 3 : i32
    %dma_wait3A_124 = arith.constant 0 : i32
    %dma_wait3A_125 = tpu.memref_slice %arg5[%dma_wait3A_123, %dma_wait3A_124] : memref<128x64xi32, #tpu.memory_space<vmem>> -> memref<1x64xi32, #tpu.memory_space<vmem>>
    %dma_wait3A_126 = tpu.memref_squeeze %dma_wait3A_125 : memref<1x64xi32, #tpu.memory_space<vmem>> -> memref<64xi32, #tpu.memory_space<vmem>>
    %dma_wait3A_127 = arith.constant 0 : i32
    %dma_wait3A_128 = arith.constant 0 : i32
    %dma_wait3A_129 = tpu.memref_slice %arg7[%dma_wait3A_127, %dma_wait3A_128] : memref<14x128xf32, #tpu.memory_space<vmem_shared>> -> memref<14x128xf32, #tpu.memory_space<vmem_shared>>
    tpu.wait_indirect_dma semaphore(%arg19 : memref<!tpu.dma_semaphore, #tpu.memory_space<semaphore_mem>>) src(%dma_wait3A_129 : memref<14x128xf32, #tpu.memory_space<vmem_shared>>) dst(%arg11 : memref<64x128xf32, #tpu.memory_space<vmem>>)
    %mul3A_130 = arith.constant 128 : i32
    %mul3A_131 = arith.muli %add3A, %mul3A_130 : i32
    %add3A_132 = arith.constant 3 : i32
    %add3A_133 = arith.addi %mul3A_131, %add3A_132 : i32
    %dma_start3A_134 = arith.constant 0 : i32
    %dma_start3A_135 = arith.constant 0 : i32
    %dma_start3A_136 = tpu.memref_slice %arg4[%add3A_133, %dma_start3A_134, %dma_start3A_135] : memref<4096x64x128xf32, #tpu.memory_space<hbm>> -> memref<1x64x128xf32, #tpu.memory_space<hbm>>
    %dma_start3A_137 = tpu.memref_squeeze %dma_start3A_136 : memref<1x64x128xf32, #tpu.memory_space<hbm>> -> memref<64x128xf32, #tpu.memory_space<hbm>>
    %dma_start3A_138 = arith.constant 0 : i32
    %dma_start3A_139 = arith.constant 0 : i32
    %dma_start3A_140 = tpu.memref_slice %arg4[%add3A_133, %dma_start3A_138, %dma_start3A_139] : memref<4096x64x128xf32, #tpu.memory_space<hbm>> -> memref<1x64x128xf32, #tpu.memory_space<hbm>>
    %dma_start3A_141 = tpu.memref_squeeze %dma_start3A_140 : memref<1x64x128xf32, #tpu.memory_space<hbm>> -> memref<64x128xf32, #tpu.memory_space<hbm>>
    tpu.enqueue_dma source(%arg11 : memref<64x128xf32, #tpu.memory_space<vmem>>) target(%dma_start3A_141 : memref<64x128xf32, #tpu.memory_space<hbm>>) target_semaphore(%arg27 : memref<!tpu.dma_semaphore, #tpu.memory_space<semaphore_mem>>)
    %dma_start3A_142 = arith.constant 7 : i32
    %dma_start3A_143 = arith.constant 0 : i32
    %dma_start3A_144 = tpu.memref_slice %arg5[%dma_start3A_142, %dma_start3A_143] : memref<128x64xi32, #tpu.memory_space<vmem>> -> memref<1x64xi32, #tpu.memory_space<vmem>>
    %dma_start3A_145 = tpu.memref_squeeze %dma_start3A_144 : memref<1x64xi32, #tpu.memory_space<vmem>> -> memref<64xi32, #tpu.memory_space<vmem>>
    %dma_start3A_146 = arith.constant 0 : i32
    %dma_start3A_147 = arith.constant 0 : i32
    %dma_start3A_148 = tpu.memref_slice %arg7[%dma_start3A_146, %dma_start3A_147] : memref<14x128xf32, #tpu.memory_space<vmem_shared>> -> memref<14x128xf32, #tpu.memory_space<vmem_shared>>
    tpu.enqueue_indirect_dma source(%dma_start3A_148 : memref<14x128xf32, #tpu.memory_space<vmem_shared>>) target(%arg15 : memref<64x128xf32, #tpu.memory_space<vmem>>) offsets(%dma_start3A_145 : memref<64xi32, #tpu.memory_space<vmem>>) semaphore(%arg23 : memref<!tpu.dma_semaphore, #tpu.memory_space<semaphore_mem>>)
    %dma_wait3A_149 = arith.constant 4 : i32
    %dma_wait3A_150 = arith.constant 0 : i32
    %dma_wait3A_151 = tpu.memref_slice %arg5[%dma_wait3A_149, %dma_wait3A_150] : memref<128x64xi32, #tpu.memory_space<vmem>> -> memref<1x64xi32, #tpu.memory_space<vmem>>
    %dma_wait3A_152 = tpu.memref_squeeze %dma_wait3A_151 : memref<1x64xi32, #tpu.memory_space<vmem>> -> memref<64xi32, #tpu.memory_space<vmem>>
    %dma_wait3A_153 = arith.constant 0 : i32
    %dma_wait3A_154 = arith.constant 0 : i32
    %dma_wait3A_155 = tpu.memref_slice %arg7[%dma_wait3A_153, %dma_wait3A_154] : memref<14x128xf32, #tpu.memory_space<vmem_shared>> -> memref<14x128xf32, #tpu.memory_space<vmem_shared>>
    tpu.wait_indirect_dma semaphore(%arg20 : memref<!tpu.dma_semaphore, #tpu.memory_space<semaphore_mem>>) src(%dma_wait3A_155 : memref<14x128xf32, #tpu.memory_space<vmem_shared>>) dst(%arg12 : memref<64x128xf32, #tpu.memory_space<vmem>>)
    %mul3A_156 = arith.constant 128 : i32
    %mul3A_157 = arith.muli %add3A, %mul3A_156 : i32
    %add3A_158 = arith.constant 4 : i32
    %add3A_159 = arith.addi %mul3A_157, %add3A_158 : i32
    %dma_start3A_160 = arith.constant 0 : i32
    %dma_start3A_161 = arith.constant 0 : i32
    %dma_start3A_162 = tpu.memref_slice %arg4[%add3A_159, %dma_start3A_160, %dma_start3A_161] : memref<4096x64x128xf32, #tpu.memory_space<hbm>> -> memref<1x64x128xf32, #tpu.memory_space<hbm>>
    %dma_start3A_163 = tpu.memref_squeeze %dma_start3A_162 : memref<1x64x128xf32, #tpu.memory_space<hbm>> -> memref<64x128xf32, #tpu.memory_space<hbm>>
    %dma_start3A_164 = arith.constant 0 : i32
    %dma_start3A_165 = arith.constant 0 : i32
    %dma_start3A_166 = tpu.memref_slice %arg4[%add3A_159, %dma_start3A_164, %dma_start3A_165] : memref<4096x64x128xf32, #tpu.memory_space<hbm>> -> memref<1x64x128xf32, #tpu.memory_space<hbm>>
    %dma_start3A_167 = tpu.memref_squeeze %dma_start3A_166 : memref<1x64x128xf32, #tpu.memory_space<hbm>> -> memref<64x128xf32, #tpu.memory_space<hbm>>
    tpu.enqueue_dma source(%arg12 : memref<64x128xf32, #tpu.memory_space<vmem>>) target(%dma_start3A_167 : memref<64x128xf32, #tpu.memory_space<hbm>>) target_semaphore(%arg28 : memref<!tpu.dma_semaphore, #tpu.memory_space<semaphore_mem>>)
    %mul3A_168 = arith.constant 128 : i32
    %mul3A_169 = arith.muli %add3A, %mul3A_168 : i32
    %add3A_170 = arith.constant 0 : i32
    %add3A_171 = arith.addi %mul3A_169, %add3A_170 : i32
    %dma_wait3A_172 = arith.constant 0 : i32
    %dma_wait3A_173 = arith.constant 0 : i32
    %dma_wait3A_174 = tpu.memref_slice %arg4[%add3A_171, %dma_wait3A_172, %dma_wait3A_173] : memref<4096x64x128xf32, #tpu.memory_space<hbm>> -> memref<1x64x128xf32, #tpu.memory_space<hbm>>
    %dma_wait3A_175 = tpu.memref_squeeze %dma_wait3A_174 : memref<1x64x128xf32, #tpu.memory_space<hbm>> -> memref<64x128xf32, #tpu.memory_space<hbm>>
    %dma_wait3A_176 = arith.constant 0 : i32
    %dma_wait3A_177 = arith.constant 0 : i32
    %dma_wait3A_178 = tpu.memref_slice %arg4[%add3A_171, %dma_wait3A_176, %dma_wait3A_177] : memref<4096x64x128xf32, #tpu.memory_space<hbm>> -> memref<1x64x128xf32, #tpu.memory_space<hbm>>
    %dma_wait3A_179 = tpu.memref_squeeze %dma_wait3A_178 : memref<1x64x128xf32, #tpu.memory_space<hbm>> -> memref<64x128xf32, #tpu.memory_space<hbm>>
    tpu.wait_dma2 semaphore(%arg24 : memref<!tpu.dma_semaphore, #tpu.memory_space<semaphore_mem>>) src(%arg8 : memref<64x128xf32, #tpu.memory_space<vmem>>) dst(%dma_wait3A_179 : memref<64x128xf32, #tpu.memory_space<hbm>>)
    %dma_start3A_180 = arith.constant 8 : i32
    %dma_start3A_181 = arith.constant 0 : i32
    %dma_start3A_182 = tpu.memref_slice %arg5[%dma_start3A_180, %dma_start3A_181] : memref<128x64xi32, #tpu.memory_space<vmem>> -> memref<1x64xi32, #tpu.memory_space<vmem>>
    %dma_start3A_183 = tpu.memref_squeeze %dma_start3A_182 : memref<1x64xi32, #tpu.memory_space<vmem>> -> memref<64xi32, #tpu.memory_space<vmem>>
    %dma_start3A_184 = arith.constant 0 : i32
    %dma_start3A_185 = arith.constant 0 : i32
    %dma_start3A_186 = tpu.memref_slice %arg7[%dma_start3A_184, %dma_start3A_185] : memref<14x128xf32, #tpu.memory_space<vmem_shared>> -> memref<14x128xf32, #tpu.memory_space<vmem_shared>>
    tpu.enqueue_indirect_dma source(%dma_start3A_186 : memref<14x128xf32, #tpu.memory_space<vmem_shared>>) target(%arg8 : memref<64x128xf32, #tpu.memory_space<vmem>>) offsets(%dma_start3A_183 : memref<64xi32, #tpu.memory_space<vmem>>) semaphore(%arg16 : memref<!tpu.dma_semaphore, #tpu.memory_space<semaphore_mem>>)
    %dma_wait3A_187 = arith.constant 5 : i32
    %dma_wait3A_188 = arith.constant 0 : i32
    %dma_wait3A_189 = tpu.memref_slice %arg5[%dma_wait3A_187, %dma_wait3A_188] : memref<128x64xi32, #tpu.memory_space<vmem>> -> memref<1x64xi32, #tpu.memory_space<vmem>>
    %dma_wait3A_190 = tpu.memref_squeeze %dma_wait3A_189 : memref<1x64xi32, #tpu.memory_space<vmem>> -> memref<64xi32, #tpu.memory_space<vmem>>
    %dma_wait3A_191 = arith.constant 0 : i32
    %dma_wait3A_192 = arith.constant 0 : i32
    %dma_wait3A_193 = tpu.memref_slice %arg7[%dma_wait3A_191, %dma_wait3A_192] : memref<14x128xf32, #tpu.memory_space<vmem_shared>> -> memref<14x128xf32, #tpu.memory_space<vmem_shared>>
    tpu.wait_indirect_dma semaphore(%arg21 : memref<!tpu.dma_semaphore, #tpu.memory_space<semaphore_mem>>) src(%dma_wait3A_193 : memref<14x128xf32, #tpu.memory_space<vmem_shared>>) dst(%arg13 : memref<64x128xf32, #tpu.memory_space<vmem>>)
    %mul3A_194 = arith.constant 128 : i32
    %mul3A_195 = arith.muli %add3A, %mul3A_194 : i32
    %add3A_196 = arith.constant 5 : i32
    %add3A_197 = arith.addi %mul3A_195, %add3A_196 : i32
    %dma_start3A_198 = arith.constant 0 : i32
    %dma_start3A_199 = arith.constant 0 : i32
    %dma_start3A_200 = tpu.memref_slice %arg4[%add3A_197, %dma_start3A_198, %dma_start3A_199] : memref<4096x64x128xf32, #tpu.memory_space<hbm>> -> memref<1x64x128xf32, #tpu.memory_space<hbm>>
    %dma_start3A_201 = tpu.memref_squeeze %dma_start3A_200 : memref<1x64x128xf32, #tpu.memory_space<hbm>> -> memref<64x128xf32, #tpu.memory_space<hbm>>
    %dma_start3A_202 = arith.constant 0 : i32
    %dma_start3A_203 = arith.constant 0 : i32
    %dma_start3A_204 = tpu.memref_slice %arg4[%add3A_197, %dma_start3A_202, %dma_start3A_203] : memref<4096x64x128xf32, #tpu.memory_space<hbm>> -> memref<1x64x128xf32, #tpu.memory_space<hbm>>
    %dma_start3A_205 = tpu.memref_squeeze %dma_start3A_204 : memref<1x64x128xf32, #tpu.memory_space<hbm>> -> memref<64x128xf32, #tpu.memory_space<hbm>>
    tpu.enqueue_dma source(%arg13 : memref<64x128xf32, #tpu.memory_space<vmem>>) target(%dma_start3A_205 : memref<64x128xf32, #tpu.memory_space<hbm>>) target_semaphore(%arg29 : memref<!tpu.dma_semaphore, #tpu.memory_space<semaphore_mem>>)
    %mul3A_206 = arith.constant 128 : i32
    %mul3A_207 = arith.muli %add3A, %mul3A_206 : i32
    %add3A_208 = arith.constant 1 : i32
    %add3A_209 = arith.addi %mul3A_207, %add3A_208 : i32
    %dma_wait3A_210 = arith.constant 0 : i32
    %dma_wait3A_211 = arith.constant 0 : i32
    %dma_wait3A_212 = tpu.memref_slice %arg4[%add3A_209, %dma_wait3A_210, %dma_wait3A_211] : memref<4096x64x128xf32, #tpu.memory_space<hbm>> -> memref<1x64x128xf32, #tpu.memory_space<hbm>>
    %dma_wait3A_213 = tpu.memref_squeeze %dma_wait3A_212 : memref<1x64x128xf32, #tpu.memory_space<hbm>> -> memref<64x128xf32, #tpu.memory_space<hbm>>
    %dma_wait3A_214 = arith.constant 0 : i32
    %dma_wait3A_215 = arith.constant 0 : i32
    %dma_wait3A_216 = tpu.memref_slice %arg4[%add3A_209, %dma_wait3A_214, %dma_wait3A_215] : memref<4096x64x128xf32, #tpu.memory_space<hbm>> -> memref<1x64x128xf32, #tpu.memory_space<hbm>>
    %dma_wait3A_217 = tpu.memref_squeeze %dma_wait3A_216 : memref<1x64x128xf32, #tpu.memory_space<hbm>> -> memref<64x128xf32, #tpu.memory_space<hbm>>
    tpu.wait_dma2 semaphore(%arg25 : memref<!tpu.dma_semaphore, #tpu.memory_space<semaphore_mem>>) src(%arg9 : memref<64x128xf32, #tpu.memory_space<vmem>>) dst(%dma_wait3A_217 : memref<64x128xf32, #tpu.memory_space<hbm>>)
    %dma_start3A_218 = arith.constant 9 : i32
    %dma_start3A_219 = arith.constant 0 : i32
    %dma_start3A_220 = tpu.memref_slice %arg5[%dma_start3A_218, %dma_start3A_219] : memref<128x64xi32, #tpu.memory_space<vmem>> -> memref<1x64xi32, #tpu.memory_space<vmem>>
    %dma_start3A_221 = tpu.memref_squeeze %dma_start3A_220 : memref<1x64xi32, #tpu.memory_space<vmem>> -> memref<64xi32, #tpu.memory_space<vmem>>
    %dma_start3A_222 = arith.constant 0 : i32
    %dma_start3A_223 = arith.constant 0 : i32
    %dma_start3A_224 = tpu.memref_slice %arg7[%dma_start3A_222, %dma_start3A_223] : memref<14x128xf32, #tpu.memory_space<vmem_shared>> -> memref<14x128xf32, #tpu.memory_space<vmem_shared>>
    tpu.enqueue_indirect_dma source(%dma_start3A_224 : memref<14x128xf32, #tpu.memory_space<vmem_shared>>) target(%arg9 : memref<64x128xf32, #tpu.memory_space<vmem>>) offsets(%dma_start3A_221 : memref<64xi32, #tpu.memory_space<vmem>>) semaphore(%arg17 : memref<!tpu.dma_semaphore, #tpu.memory_space<semaphore_mem>>)
    %dma_wait3A_225 = arith.constant 6 : i32
    %dma_wait3A_226 = arith.constant 0 : i32
    %dma_wait3A_227 = tpu.memref_slice %arg5[%dma_wait3A_225, %dma_wait3A_226] : memref<128x64xi32, #tpu.memory_space<vmem>> -> memref<1x64xi32, #tpu.memory_space<vmem>>
    %dma_wait3A_228 = tpu.memref_squeeze %dma_wait3A_227 : memref<1x64xi32, #tpu.memory_space<vmem>> -> memref<64xi32, #tpu.memory_space<vmem>>
    %dma_wait3A_229 = arith.constant 0 : i32
    %dma_wait3A_230 = arith.constant 0 : i32
    %dma_wait3A_231 = tpu.memref_slice %arg7[%dma_wait3A_229, %dma_wait3A_230] : memref<14x128xf32, #tpu.memory_space<vmem_shared>> -> memref<14x128xf32, #tpu.memory_space<vmem_shared>>
    tpu.wait_indirect_dma semaphore(%arg22 : memref<!tpu.dma_semaphore, #tpu.memory_space<semaphore_mem>>) src(%dma_wait3A_231 : memref<14x128xf32, #tpu.memory_space<vmem_shared>>) dst(%arg14 : memref<64x128xf32, #tpu.memory_space<vmem>>)
    %mul3A_232 = arith.constant 128 : i32
    %mul3A_233 = arith.muli %add3A, %mul3A_232 : i32
    %add3A_234 = arith.constant 6 : i32
    %add3A_235 = arith.addi %mul3A_233, %add3A_234 : i32
    %dma_start3A_236 = arith.constant 0 : i32
    %dma_start3A_237 = arith.constant 0 : i32
    %dma_start3A_238 = tpu.memref_slice %arg4[%add3A_235, %dma_start3A_236, %dma_start3A_237] : memref<4096x64x128xf32, #tpu.memory_space<hbm>> -> memref<1x64x128xf32, #tpu.memory_space<hbm>>
    %dma_start3A_239 = tpu.memref_squeeze %dma_start3A_238 : memref<1x64x128xf32, #tpu.memory_space<hbm>> -> memref<64x128xf32, #tpu.memory_space<hbm>>
    %dma_start3A_240 = arith.constant 0 : i32
    %dma_start3A_241 = arith.constant 0 : i32
    %dma_start3A_242 = tpu.memref_slice %arg4[%add3A_235, %dma_start3A_240, %dma_start3A_241] : memref<4096x64x128xf32, #tpu.memory_space<hbm>> -> memref<1x64x128xf32, #tpu.memory_space<hbm>>
    %dma_start3A_243 = tpu.memref_squeeze %dma_start3A_242 : memref<1x64x128xf32, #tpu.memory_space<hbm>> -> memref<64x128xf32, #tpu.memory_space<hbm>>
    tpu.enqueue_dma source(%arg14 : memref<64x128xf32, #tpu.memory_space<vmem>>) target(%dma_start3A_243 : memref<64x128xf32, #tpu.memory_space<hbm>>) target_semaphore(%arg30 : memref<!tpu.dma_semaphore, #tpu.memory_space<semaphore_mem>>)
    %mul3A_244 = arith.constant 128 : i32
    %mul3A_245 = arith.muli %add3A, %mul3A_244 : i32
    %add3A_246 = arith.constant 2 : i32
    %add3A_247 = arith.addi %mul3A_245, %add3A_246 : i32
    %dma_wait3A_248 = arith.constant 0 : i32
    %dma_wait3A_249 = arith.constant 0 : i32
    %dma_wait3A_250 = tpu.memref_slice %arg4[%add3A_247, %dma_wait3A_248, %dma_wait3A_249] : memref<4096x64x128xf32, #tpu.memory_space<hbm>> -> memref<1x64x128xf32, #tpu.memory_space<hbm>>
    %dma_wait3A_251 = tpu.memref_squeeze %dma_wait3A_250 : memref<1x64x128xf32, #tpu.memory_space<hbm>> -> memref<64x128xf32, #tpu.memory_space<hbm>>
    %dma_wait3A_252 = arith.constant 0 : i32
    %dma_wait3A_253 = arith.constant 0 : i32
    %dma_wait3A_254 = tpu.memref_slice %arg4[%add3A_247, %dma_wait3A_252, %dma_wait3A_253] : memref<4096x64x128xf32, #tpu.memory_space<hbm>> -> memref<1x64x128xf32, #tpu.memory_space<hbm>>
    %dma_wait3A_255 = tpu.memref_squeeze %dma_wait3A_254 : memref<1x64x128xf32, #tpu.memory_space<hbm>> -> memref<64x128xf32, #tpu.memory_space<hbm>>
    tpu.wait_dma2 semaphore(%arg26 : memref<!tpu.dma_semaphore, #tpu.memory_space<semaphore_mem>>) src(%arg10 : memref<64x128xf32, #tpu.memory_space<vmem>>) dst(%dma_wait3A_255 : memref<64x128xf32, #tpu.memory_space<hbm>>)
    %dma_start3A_256 = arith.constant 10 : i32
    %dma_start3A_257 = arith.constant 0 : i32
    %dma_start3A_258 = tpu.memref_slice %arg5[%dma_start3A_256, %dma_start3A_257] : memref<128x64xi32, #tpu.memory_space<vmem>> -> memref<1x64xi32, #tpu.memory_space<vmem>>
    %dma_start3A_259 = tpu.memref_squeeze %dma_start3A_258 : memref<1x64xi32, #tpu.memory_space<vmem>> -> memref<64xi32, #tpu.memory_space<vmem>>
    %dma_start3A_260 = arith.constant 0 : i32
    %dma_start3A_261 = arith.constant 0 : i32
    %dma_start3A_262 = tpu.memref_slice %arg7[%dma_start3A_260, %dma_start3A_261] : memref<14x128xf32, #tpu.memory_space<vmem_shared>> -> memref<14x128xf32, #tpu.memory_space<vmem_shared>>
    tpu.enqueue_indirect_dma source(%dma_start3A_262 : memref<14x128xf32, #tpu.memory_space<vmem_shared>>) target(%arg10 : memref<64x128xf32, #tpu.memory_space<vmem>>) offsets(%dma_start3A_259 : memref<64xi32, #tpu.memory_space<vmem>>) semaphore(%arg18 : memref<!tpu.dma_semaphore, #tpu.memory_space<semaphore_mem>>)
    %dma_wait3A_263 = arith.constant 7 : i32
    %dma_wait3A_264 = arith.constant 0 : i32
    %dma_wait3A_265 = tpu.memref_slice %arg5[%dma_wait3A_263, %dma_wait3A_264] : memref<128x64xi32, #tpu.memory_space<vmem>> -> memref<1x64xi32, #tpu.memory_space<vmem>>
    %dma_wait3A_266 = tpu.memref_squeeze %dma_wait3A_265 : memref<1x64xi32, #tpu.memory_space<vmem>> -> memref<64xi32, #tpu.memory_space<vmem>>
    %dma_wait3A_267 = arith.constant 0 : i32
    %dma_wait3A_268 = arith.constant 0 : i32
    %dma_wait3A_269 = tpu.memref_slice %arg7[%dma_wait3A_267, %dma_wait3A_268] : memref<14x128xf32, #tpu.memory_space<vmem_shared>> -> memref<14x128xf32, #tpu.memory_space<vmem_shared>>
    tpu.wait_indirect_dma semaphore(%arg23 : memref<!tpu.dma_semaphore, #tpu.memory_space<semaphore_mem>>) src(%dma_wait3A_269 : memref<14x128xf32, #tpu.memory_space<vmem_shared>>) dst(%arg15 : memref<64x128xf32, #tpu.memory_space<vmem>>)
    %mul3A_270 = arith.constant 128 : i32
    %mul3A_271 = arith.muli %add3A, %mul3A_270 : i32
    %add3A_272 = arith.constant 7 : i32
    %add3A_273 = arith.addi %mul3A_271, %add3A_272 : i32
    %dma_start3A_274 = arith.constant 0 : i32
    %dma_start3A_275 = arith.constant 0 : i32
    %dma_start3A_276 = tpu.memref_slice %arg4[%add3A_273, %dma_start3A_274, %dma_start3A_275] : memref<4096x64x128xf32, #tpu.memory_space<hbm>> -> memref<1x64x128xf32, #tpu.memory_space<hbm>>
    %dma_start3A_277 = tpu.memref_squeeze %dma_start3A_276 : memref<1x64x128xf32, #tpu.memory_space<hbm>> -> memref<64x128xf32, #tpu.memory_space<hbm>>
    %dma_start3A_278 = arith.constant 0 : i32
    %dma_start3A_279 = arith.constant 0 : i32
    %dma_start3A_280 = tpu.memref_slice %arg4[%add3A_273, %dma_start3A_278, %dma_start3A_279] : memref<4096x64x128xf32, #tpu.memory_space<hbm>> -> memref<1x64x128xf32, #tpu.memory_space<hbm>>
    %dma_start3A_281 = tpu.memref_squeeze %dma_start3A_280 : memref<1x64x128xf32, #tpu.memory_space<hbm>> -> memref<64x128xf32, #tpu.memory_space<hbm>>
    tpu.enqueue_dma source(%arg15 : memref<64x128xf32, #tpu.memory_space<vmem>>) target(%dma_start3A_281 : memref<64x128xf32, #tpu.memory_space<hbm>>) target_semaphore(%arg31 : memref<!tpu.dma_semaphore, #tpu.memory_space<semaphore_mem>>)
    %mul3A_282 = arith.constant 128 : i32
    %mul3A_283 = arith.muli %add3A, %mul3A_282 : i32
    %add3A_284 = arith.constant 3 : i32
    %add3A_285 = arith.addi %mul3A_283, %add3A_284 : i32
    %dma_wait3A_286 = arith.constant 0 : i32
    %dma_wait3A_287 = arith.constant 0 : i32
    %dma_wait3A_288 = tpu.memref_slice %arg4[%add3A_285, %dma_wait3A_286, %dma_wait3A_287] : memref<4096x64x128xf32, #tpu.memory_space<hbm>> -> memref<1x64x128xf32, #tpu.memory_space<hbm>>
    %dma_wait3A_289 = tpu.memref_squeeze %dma_wait3A_288 : memref<1x64x128xf32, #tpu.memory_space<hbm>> -> memref<64x128xf32, #tpu.memory_space<hbm>>
    %dma_wait3A_290 = arith.constant 0 : i32
    %dma_wait3A_291 = arith.constant 0 : i32
    %dma_wait3A_292 = tpu.memref_slice %arg4[%add3A_285, %dma_wait3A_290, %dma_wait3A_291] : memref<4096x64x128xf32, #tpu.memory_space<hbm>> -> memref<1x64x128xf32, #tpu.memory_space<hbm>>
    %dma_wait3A_293 = tpu.memref_squeeze %dma_wait3A_292 : memref<1x64x128xf32, #tpu.memory_space<hbm>> -> memref<64x128xf32, #tpu.memory_space<hbm>>
    tpu.wait_dma2 semaphore(%arg27 : memref<!tpu.dma_semaphore, #tpu.memory_space<semaphore_mem>>) src(%arg11 : memref<64x128xf32, #tpu.memory_space<vmem>>) dst(%dma_wait3A_293 : memref<64x128xf32, #tpu.memory_space<hbm>>)
    %dma_start3A_294 = arith.constant 11 : i32
    %dma_start3A_295 = arith.constant 0 : i32
    %dma_start3A_296 = tpu.memref_slice %arg5[%dma_start3A_294, %dma_start3A_295] : memref<128x64xi32, #tpu.memory_space<vmem>> -> memref<1x64xi32, #tpu.memory_space<vmem>>
    %dma_start3A_297 = tpu.memref_squeeze %dma_start3A_296 : memref<1x64xi32, #tpu.memory_space<vmem>> -> memref<64xi32, #tpu.memory_space<vmem>>
    %dma_start3A_298 = arith.constant 0 : i32
    %dma_start3A_299 = arith.constant 0 : i32
    %dma_start3A_300 = tpu.memref_slice %arg7[%dma_start3A_298, %dma_start3A_299] : memref<14x128xf32, #tpu.memory_space<vmem_shared>> -> memref<14x128xf32, #tpu.memory_space<vmem_shared>>
    tpu.enqueue_indirect_dma source(%dma_start3A_300 : memref<14x128xf32, #tpu.memory_space<vmem_shared>>) target(%arg11 : memref<64x128xf32, #tpu.memory_space<vmem>>) offsets(%dma_start3A_297 : memref<64xi32, #tpu.memory_space<vmem>>) semaphore(%arg19 : memref<!tpu.dma_semaphore, #tpu.memory_space<semaphore_mem>>)
    %scan3A = arith.constant 0 : i32
    %scan3A_301 = arith.constant 0 : i32
    %scan3A_302 = arith.constant 14 : i32
    %scan3A_303 = arith.addi %scan3A_301, %scan3A_302 : i32
    %scan3A_304 = arith.constant 1 : i32
    scf.for %scan3A_630 = %scan3A_301 to %scan3A_303 step %scan3A_304  : i32 {
      %add3A_631 = arith.constant 1 : i32
      %add3A_632 = arith.addi %scan3A_630, %add3A_631 : i32
      %mul3A_633 = arith.constant 8 : i32
      %mul3A_634 = arith.muli %add3A_632, %mul3A_633 : i32
      %add3A_635 = arith.constant 0 : i32
      %add3A_636 = arith.addi %mul3A_634, %add3A_635 : i32
      %dma_wait3A_637 = arith.constant 0 : i32
      %dma_wait3A_638 = tpu.memref_slice %arg5[%add3A_636, %dma_wait3A_637] : memref<128x64xi32, #tpu.memory_space<vmem>> -> memref<1x64xi32, #tpu.memory_space<vmem>>
      %dma_wait3A_639 = tpu.memref_squeeze %dma_wait3A_638 : memref<1x64xi32, #tpu.memory_space<vmem>> -> memref<64xi32, #tpu.memory_space<vmem>>
      %dma_wait3A_640 = arith.constant 0 : i32
      %dma_wait3A_641 = arith.constant 0 : i32
      %dma_wait3A_642 = tpu.memref_slice %arg7[%dma_wait3A_640, %dma_wait3A_641] : memref<14x128xf32, #tpu.memory_space<vmem_shared>> -> memref<14x128xf32, #tpu.memory_space<vmem_shared>>
      tpu.wait_indirect_dma semaphore(%arg16 : memref<!tpu.dma_semaphore, #tpu.memory_space<semaphore_mem>>) src(%dma_wait3A_642 : memref<14x128xf32, #tpu.memory_space<vmem_shared>>) dst(%arg8 : memref<64x128xf32, #tpu.memory_space<vmem>>)
      %mul3A_643 = arith.constant 128 : i32
      %mul3A_644 = arith.muli %add3A, %mul3A_643 : i32
      %add3A_645 = arith.addi %mul3A_644, %add3A_636 : i32
      %dma_start3A_646 = arith.constant 0 : i32
      %dma_start3A_647 = arith.constant 0 : i32
      %dma_start3A_648 = tpu.memref_slice %arg4[%add3A_645, %dma_start3A_646, %dma_start3A_647] : memref<4096x64x128xf32, #tpu.memory_space<hbm>> -> memref<1x64x128xf32, #tpu.memory_space<hbm>>
      %dma_start3A_649 = tpu.memref_squeeze %dma_start3A_648 : memref<1x64x128xf32, #tpu.memory_space<hbm>> -> memref<64x128xf32, #tpu.memory_space<hbm>>
      %dma_start3A_650 = arith.constant 0 : i32
      %dma_start3A_651 = arith.constant 0 : i32
      %dma_start3A_652 = tpu.memref_slice %arg4[%add3A_645, %dma_start3A_650, %dma_start3A_651] : memref<4096x64x128xf32, #tpu.memory_space<hbm>> -> memref<1x64x128xf32, #tpu.memory_space<hbm>>
      %dma_start3A_653 = tpu.memref_squeeze %dma_start3A_652 : memref<1x64x128xf32, #tpu.memory_space<hbm>> -> memref<64x128xf32, #tpu.memory_space<hbm>>
      tpu.enqueue_dma source(%arg8 : memref<64x128xf32, #tpu.memory_space<vmem>>) target(%dma_start3A_653 : memref<64x128xf32, #tpu.memory_space<hbm>>) target_semaphore(%arg24 : memref<!tpu.dma_semaphore, #tpu.memory_space<semaphore_mem>>)
      %sub3A = arith.constant 4 : i32
      %sub3A_654 = arith.subi %add3A_636, %sub3A : i32
      %mul3A_655 = arith.constant 128 : i32
      %mul3A_656 = arith.muli %add3A, %mul3A_655 : i32
      %add3A_657 = arith.addi %mul3A_656, %sub3A_654 : i32
      %dma_wait3A_658 = arith.constant 0 : i32
      %dma_wait3A_659 = arith.constant 0 : i32
      %dma_wait3A_660 = tpu.memref_slice %arg4[%add3A_657, %dma_wait3A_658, %dma_wait3A_659] : memref<4096x64x128xf32, #tpu.memory_space<hbm>> -> memref<1x64x128xf32, #tpu.memory_space<hbm>>
      %dma_wait3A_661 = tpu.memref_squeeze %dma_wait3A_660 : memref<1x64x128xf32, #tpu.memory_space<hbm>> -> memref<64x128xf32, #tpu.memory_space<hbm>>
      %dma_wait3A_662 = arith.constant 0 : i32
      %dma_wait3A_663 = arith.constant 0 : i32
      %dma_wait3A_664 = tpu.memref_slice %arg4[%add3A_657, %dma_wait3A_662, %dma_wait3A_663] : memref<4096x64x128xf32, #tpu.memory_space<hbm>> -> memref<1x64x128xf32, #tpu.memory_space<hbm>>
      %dma_wait3A_665 = tpu.memref_squeeze %dma_wait3A_664 : memref<1x64x128xf32, #tpu.memory_space<hbm>> -> memref<64x128xf32, #tpu.memory_space<hbm>>
      tpu.wait_dma2 semaphore(%arg28 : memref<!tpu.dma_semaphore, #tpu.memory_space<semaphore_mem>>) src(%arg12 : memref<64x128xf32, #tpu.memory_space<vmem>>) dst(%dma_wait3A_665 : memref<64x128xf32, #tpu.memory_space<hbm>>)
      %add3A_666 = arith.constant 4 : i32
      %add3A_667 = arith.addi %add3A_636, %add3A_666 : i32
      %dma_start3A_668 = arith.constant 0 : i32
      %dma_start3A_669 = tpu.memref_slice %arg5[%add3A_667, %dma_start3A_668] : memref<128x64xi32, #tpu.memory_space<vmem>> -> memref<1x64xi32, #tpu.memory_space<vmem>>
      %dma_start3A_670 = tpu.memref_squeeze %dma_start3A_669 : memref<1x64xi32, #tpu.memory_space<vmem>> -> memref<64xi32, #tpu.memory_space<vmem>>
      %dma_start3A_671 = arith.constant 0 : i32
      %dma_start3A_672 = arith.constant 0 : i32
      %dma_start3A_673 = tpu.memref_slice %arg7[%dma_start3A_671, %dma_start3A_672] : memref<14x128xf32, #tpu.memory_space<vmem_shared>> -> memref<14x128xf32, #tpu.memory_space<vmem_shared>>
      tpu.enqueue_indirect_dma source(%dma_start3A_673 : memref<14x128xf32, #tpu.memory_space<vmem_shared>>) target(%arg12 : memref<64x128xf32, #tpu.memory_space<vmem>>) offsets(%dma_start3A_670 : memref<64xi32, #tpu.memory_space<vmem>>) semaphore(%arg20 : memref<!tpu.dma_semaphore, #tpu.memory_space<semaphore_mem>>)
      %add3A_674 = arith.constant 1 : i32
      %add3A_675 = arith.addi %scan3A_630, %add3A_674 : i32
      %mul3A_676 = arith.constant 8 : i32
      %mul3A_677 = arith.muli %add3A_675, %mul3A_676 : i32
      %add3A_678 = arith.constant 1 : i32
      %add3A_679 = arith.addi %mul3A_677, %add3A_678 : i32
      %dma_wait3A_680 = arith.constant 0 : i32
      %dma_wait3A_681 = tpu.memref_slice %arg5[%add3A_679, %dma_wait3A_680] : memref<128x64xi32, #tpu.memory_space<vmem>> -> memref<1x64xi32, #tpu.memory_space<vmem>>
      %dma_wait3A_682 = tpu.memref_squeeze %dma_wait3A_681 : memref<1x64xi32, #tpu.memory_space<vmem>> -> memref<64xi32, #tpu.memory_space<vmem>>
      %dma_wait3A_683 = arith.constant 0 : i32
      %dma_wait3A_684 = arith.constant 0 : i32
      %dma_wait3A_685 = tpu.memref_slice %arg7[%dma_wait3A_683, %dma_wait3A_684] : memref<14x128xf32, #tpu.memory_space<vmem_shared>> -> memref<14x128xf32, #tpu.memory_space<vmem_shared>>
      tpu.wait_indirect_dma semaphore(%arg17 : memref<!tpu.dma_semaphore, #tpu.memory_space<semaphore_mem>>) src(%dma_wait3A_685 : memref<14x128xf32, #tpu.memory_space<vmem_shared>>) dst(%arg9 : memref<64x128xf32, #tpu.memory_space<vmem>>)
      %mul3A_686 = arith.constant 128 : i32
      %mul3A_687 = arith.muli %add3A, %mul3A_686 : i32
      %add3A_688 = arith.addi %mul3A_687, %add3A_679 : i32
      %dma_start3A_689 = arith.constant 0 : i32
      %dma_start3A_690 = arith.constant 0 : i32
      %dma_start3A_691 = tpu.memref_slice %arg4[%add3A_688, %dma_start3A_689, %dma_start3A_690] : memref<4096x64x128xf32, #tpu.memory_space<hbm>> -> memref<1x64x128xf32, #tpu.memory_space<hbm>>
      %dma_start3A_692 = tpu.memref_squeeze %dma_start3A_691 : memref<1x64x128xf32, #tpu.memory_space<hbm>> -> memref<64x128xf32, #tpu.memory_space<hbm>>
      %dma_start3A_693 = arith.constant 0 : i32
      %dma_start3A_694 = arith.constant 0 : i32
      %dma_start3A_695 = tpu.memref_slice %arg4[%add3A_688, %dma_start3A_693, %dma_start3A_694] : memref<4096x64x128xf32, #tpu.memory_space<hbm>> -> memref<1x64x128xf32, #tpu.memory_space<hbm>>
      %dma_start3A_696 = tpu.memref_squeeze %dma_start3A_695 : memref<1x64x128xf32, #tpu.memory_space<hbm>> -> memref<64x128xf32, #tpu.memory_space<hbm>>
      tpu.enqueue_dma source(%arg9 : memref<64x128xf32, #tpu.memory_space<vmem>>) target(%dma_start3A_696 : memref<64x128xf32, #tpu.memory_space<hbm>>) target_semaphore(%arg25 : memref<!tpu.dma_semaphore, #tpu.memory_space<semaphore_mem>>)
      %sub3A_697 = arith.constant 4 : i32
      %sub3A_698 = arith.subi %add3A_679, %sub3A_697 : i32
      %mul3A_699 = arith.constant 128 : i32
      %mul3A_700 = arith.muli %add3A, %mul3A_699 : i32
      %add3A_701 = arith.addi %mul3A_700, %sub3A_698 : i32
      %dma_wait3A_702 = arith.constant 0 : i32
      %dma_wait3A_703 = arith.constant 0 : i32
      %dma_wait3A_704 = tpu.memref_slice %arg4[%add3A_701, %dma_wait3A_702, %dma_wait3A_703] : memref<4096x64x128xf32, #tpu.memory_space<hbm>> -> memref<1x64x128xf32, #tpu.memory_space<hbm>>
      %dma_wait3A_705 = tpu.memref_squeeze %dma_wait3A_704 : memref<1x64x128xf32, #tpu.memory_space<hbm>> -> memref<64x128xf32, #tpu.memory_space<hbm>>
      %dma_wait3A_706 = arith.constant 0 : i32
      %dma_wait3A_707 = arith.constant 0 : i32
      %dma_wait3A_708 = tpu.memref_slice %arg4[%add3A_701, %dma_wait3A_706, %dma_wait3A_707] : memref<4096x64x128xf32, #tpu.memory_space<hbm>> -> memref<1x64x128xf32, #tpu.memory_space<hbm>>
      %dma_wait3A_709 = tpu.memref_squeeze %dma_wait3A_708 : memref<1x64x128xf32, #tpu.memory_space<hbm>> -> memref<64x128xf32, #tpu.memory_space<hbm>>
      tpu.wait_dma2 semaphore(%arg29 : memref<!tpu.dma_semaphore, #tpu.memory_space<semaphore_mem>>) src(%arg13 : memref<64x128xf32, #tpu.memory_space<vmem>>) dst(%dma_wait3A_709 : memref<64x128xf32, #tpu.memory_space<hbm>>)
      %add3A_710 = arith.constant 4 : i32
      %add3A_711 = arith.addi %add3A_679, %add3A_710 : i32
      %dma_start3A_712 = arith.constant 0 : i32
      %dma_start3A_713 = tpu.memref_slice %arg5[%add3A_711, %dma_start3A_712] : memref<128x64xi32, #tpu.memory_space<vmem>> -> memref<1x64xi32, #tpu.memory_space<vmem>>
      %dma_start3A_714 = tpu.memref_squeeze %dma_start3A_713 : memref<1x64xi32, #tpu.memory_space<vmem>> -> memref<64xi32, #tpu.memory_space<vmem>>
      %dma_start3A_715 = arith.constant 0 : i32
      %dma_start3A_716 = arith.constant 0 : i32
      %dma_start3A_717 = tpu.memref_slice %arg7[%dma_start3A_715, %dma_start3A_716] : memref<14x128xf32, #tpu.memory_space<vmem_shared>> -> memref<14x128xf32, #tpu.memory_space<vmem_shared>>
      tpu.enqueue_indirect_dma source(%dma_start3A_717 : memref<14x128xf32, #tpu.memory_space<vmem_shared>>) target(%arg13 : memref<64x128xf32, #tpu.memory_space<vmem>>) offsets(%dma_start3A_714 : memref<64xi32, #tpu.memory_space<vmem>>) semaphore(%arg21 : memref<!tpu.dma_semaphore, #tpu.memory_space<semaphore_mem>>)
      %add3A_718 = arith.constant 1 : i32
      %add3A_719 = arith.addi %scan3A_630, %add3A_718 : i32
      %mul3A_720 = arith.constant 8 : i32
      %mul3A_721 = arith.muli %add3A_719, %mul3A_720 : i32
      %add3A_722 = arith.constant 2 : i32
      %add3A_723 = arith.addi %mul3A_721, %add3A_722 : i32
      %dma_wait3A_724 = arith.constant 0 : i32
      %dma_wait3A_725 = tpu.memref_slice %arg5[%add3A_723, %dma_wait3A_724] : memref<128x64xi32, #tpu.memory_space<vmem>> -> memref<1x64xi32, #tpu.memory_space<vmem>>
      %dma_wait3A_726 = tpu.memref_squeeze %dma_wait3A_725 : memref<1x64xi32, #tpu.memory_space<vmem>> -> memref<64xi32, #tpu.memory_space<vmem>>
      %dma_wait3A_727 = arith.constant 0 : i32
      %dma_wait3A_728 = arith.constant 0 : i32
      %dma_wait3A_729 = tpu.memref_slice %arg7[%dma_wait3A_727, %dma_wait3A_728] : memref<14x128xf32, #tpu.memory_space<vmem_shared>> -> memref<14x128xf32, #tpu.memory_space<vmem_shared>>
      tpu.wait_indirect_dma semaphore(%arg18 : memref<!tpu.dma_semaphore, #tpu.memory_space<semaphore_mem>>) src(%dma_wait3A_729 : memref<14x128xf32, #tpu.memory_space<vmem_shared>>) dst(%arg10 : memref<64x128xf32, #tpu.memory_space<vmem>>)
      %mul3A_730 = arith.constant 128 : i32
      %mul3A_731 = arith.muli %add3A, %mul3A_730 : i32
      %add3A_732 = arith.addi %mul3A_731, %add3A_723 : i32
      %dma_start3A_733 = arith.constant 0 : i32
      %dma_start3A_734 = arith.constant 0 : i32
      %dma_start3A_735 = tpu.memref_slice %arg4[%add3A_732, %dma_start3A_733, %dma_start3A_734] : memref<4096x64x128xf32, #tpu.memory_space<hbm>> -> memref<1x64x128xf32, #tpu.memory_space<hbm>>
      %dma_start3A_736 = tpu.memref_squeeze %dma_start3A_735 : memref<1x64x128xf32, #tpu.memory_space<hbm>> -> memref<64x128xf32, #tpu.memory_space<hbm>>
      %dma_start3A_737 = arith.constant 0 : i32
      %dma_start3A_738 = arith.constant 0 : i32
      %dma_start3A_739 = tpu.memref_slice %arg4[%add3A_732, %dma_start3A_737, %dma_start3A_738] : memref<4096x64x128xf32, #tpu.memory_space<hbm>> -> memref<1x64x128xf32, #tpu.memory_space<hbm>>
      %dma_start3A_740 = tpu.memref_squeeze %dma_start3A_739 : memref<1x64x128xf32, #tpu.memory_space<hbm>> -> memref<64x128xf32, #tpu.memory_space<hbm>>
      tpu.enqueue_dma source(%arg10 : memref<64x128xf32, #tpu.memory_space<vmem>>) target(%dma_start3A_740 : memref<64x128xf32, #tpu.memory_space<hbm>>) target_semaphore(%arg26 : memref<!tpu.dma_semaphore, #tpu.memory_space<semaphore_mem>>)
      %sub3A_741 = arith.constant 4 : i32
      %sub3A_742 = arith.subi %add3A_723, %sub3A_741 : i32
      %mul3A_743 = arith.constant 128 : i32
      %mul3A_744 = arith.muli %add3A, %mul3A_743 : i32
      %add3A_745 = arith.addi %mul3A_744, %sub3A_742 : i32
      %dma_wait3A_746 = arith.constant 0 : i32
      %dma_wait3A_747 = arith.constant 0 : i32
      %dma_wait3A_748 = tpu.memref_slice %arg4[%add3A_745, %dma_wait3A_746, %dma_wait3A_747] : memref<4096x64x128xf32, #tpu.memory_space<hbm>> -> memref<1x64x128xf32, #tpu.memory_space<hbm>>
      %dma_wait3A_749 = tpu.memref_squeeze %dma_wait3A_748 : memref<1x64x128xf32, #tpu.memory_space<hbm>> -> memref<64x128xf32, #tpu.memory_space<hbm>>
      %dma_wait3A_750 = arith.constant 0 : i32
      %dma_wait3A_751 = arith.constant 0 : i32
      %dma_wait3A_752 = tpu.memref_slice %arg4[%add3A_745, %dma_wait3A_750, %dma_wait3A_751] : memref<4096x64x128xf32, #tpu.memory_space<hbm>> -> memref<1x64x128xf32, #tpu.memory_space<hbm>>
      %dma_wait3A_753 = tpu.memref_squeeze %dma_wait3A_752 : memref<1x64x128xf32, #tpu.memory_space<hbm>> -> memref<64x128xf32, #tpu.memory_space<hbm>>
      tpu.wait_dma2 semaphore(%arg30 : memref<!tpu.dma_semaphore, #tpu.memory_space<semaphore_mem>>) src(%arg14 : memref<64x128xf32, #tpu.memory_space<vmem>>) dst(%dma_wait3A_753 : memref<64x128xf32, #tpu.memory_space<hbm>>)
      %add3A_754 = arith.constant 4 : i32
      %add3A_755 = arith.addi %add3A_723, %add3A_754 : i32
      %dma_start3A_756 = arith.constant 0 : i32
      %dma_start3A_757 = tpu.memref_slice %arg5[%add3A_755, %dma_start3A_756] : memref<128x64xi32, #tpu.memory_space<vmem>> -> memref<1x64xi32, #tpu.memory_space<vmem>>
      %dma_start3A_758 = tpu.memref_squeeze %dma_start3A_757 : memref<1x64xi32, #tpu.memory_space<vmem>> -> memref<64xi32, #tpu.memory_space<vmem>>
      %dma_start3A_759 = arith.constant 0 : i32
      %dma_start3A_760 = arith.constant 0 : i32
      %dma_start3A_761 = tpu.memref_slice %arg7[%dma_start3A_759, %dma_start3A_760] : memref<14x128xf32, #tpu.memory_space<vmem_shared>> -> memref<14x128xf32, #tpu.memory_space<vmem_shared>>
      tpu.enqueue_indirect_dma source(%dma_start3A_761 : memref<14x128xf32, #tpu.memory_space<vmem_shared>>) target(%arg14 : memref<64x128xf32, #tpu.memory_space<vmem>>) offsets(%dma_start3A_758 : memref<64xi32, #tpu.memory_space<vmem>>) semaphore(%arg22 : memref<!tpu.dma_semaphore, #tpu.memory_space<semaphore_mem>>)
      %add3A_762 = arith.constant 1 : i32
      %add3A_763 = arith.addi %scan3A_630, %add3A_762 : i32
      %mul3A_764 = arith.constant 8 : i32
      %mul3A_765 = arith.muli %add3A_763, %mul3A_764 : i32
      %add3A_766 = arith.constant 3 : i32
      %add3A_767 = arith.addi %mul3A_765, %add3A_766 : i32
      %dma_wait3A_768 = arith.constant 0 : i32
      %dma_wait3A_769 = tpu.memref_slice %arg5[%add3A_767, %dma_wait3A_768] : memref<128x64xi32, #tpu.memory_space<vmem>> -> memref<1x64xi32, #tpu.memory_space<vmem>>
      %dma_wait3A_770 = tpu.memref_squeeze %dma_wait3A_769 : memref<1x64xi32, #tpu.memory_space<vmem>> -> memref<64xi32, #tpu.memory_space<vmem>>
      %dma_wait3A_771 = arith.constant 0 : i32
      %dma_wait3A_772 = arith.constant 0 : i32
      %dma_wait3A_773 = tpu.memref_slice %arg7[%dma_wait3A_771, %dma_wait3A_772] : memref<14x128xf32, #tpu.memory_space<vmem_shared>> -> memref<14x128xf32, #tpu.memory_space<vmem_shared>>
      tpu.wait_indirect_dma semaphore(%arg19 : memref<!tpu.dma_semaphore, #tpu.memory_space<semaphore_mem>>) src(%dma_wait3A_773 : memref<14x128xf32, #tpu.memory_space<vmem_shared>>) dst(%arg11 : memref<64x128xf32, #tpu.memory_space<vmem>>)
      %mul3A_774 = arith.constant 128 : i32
      %mul3A_775 = arith.muli %add3A, %mul3A_774 : i32
      %add3A_776 = arith.addi %mul3A_775, %add3A_767 : i32
      %dma_start3A_777 = arith.constant 0 : i32
      %dma_start3A_778 = arith.constant 0 : i32
      %dma_start3A_779 = tpu.memref_slice %arg4[%add3A_776, %dma_start3A_777, %dma_start3A_778] : memref<4096x64x128xf32, #tpu.memory_space<hbm>> -> memref<1x64x128xf32, #tpu.memory_space<hbm>>
      %dma_start3A_780 = tpu.memref_squeeze %dma_start3A_779 : memref<1x64x128xf32, #tpu.memory_space<hbm>> -> memref<64x128xf32, #tpu.memory_space<hbm>>
      %dma_start3A_781 = arith.constant 0 : i32
      %dma_start3A_782 = arith.constant 0 : i32
      %dma_start3A_783 = tpu.memref_slice %arg4[%add3A_776, %dma_start3A_781, %dma_start3A_782] : memref<4096x64x128xf32, #tpu.memory_space<hbm>> -> memref<1x64x128xf32, #tpu.memory_space<hbm>>
      %dma_start3A_784 = tpu.memref_squeeze %dma_start3A_783 : memref<1x64x128xf32, #tpu.memory_space<hbm>> -> memref<64x128xf32, #tpu.memory_space<hbm>>
      tpu.enqueue_dma source(%arg11 : memref<64x128xf32, #tpu.memory_space<vmem>>) target(%dma_start3A_784 : memref<64x128xf32, #tpu.memory_space<hbm>>) target_semaphore(%arg27 : memref<!tpu.dma_semaphore, #tpu.memory_space<semaphore_mem>>)
      %sub3A_785 = arith.constant 4 : i32
      %sub3A_786 = arith.subi %add3A_767, %sub3A_785 : i32
      %mul3A_787 = arith.constant 128 : i32
      %mul3A_788 = arith.muli %add3A, %mul3A_787 : i32
      %add3A_789 = arith.addi %mul3A_788, %sub3A_786 : i32
      %dma_wait3A_790 = arith.constant 0 : i32
      %dma_wait3A_791 = arith.constant 0 : i32
      %dma_wait3A_792 = tpu.memref_slice %arg4[%add3A_789, %dma_wait3A_790, %dma_wait3A_791] : memref<4096x64x128xf32, #tpu.memory_space<hbm>> -> memref<1x64x128xf32, #tpu.memory_space<hbm>>
      %dma_wait3A_793 = tpu.memref_squeeze %dma_wait3A_792 : memref<1x64x128xf32, #tpu.memory_space<hbm>> -> memref<64x128xf32, #tpu.memory_space<hbm>>
      %dma_wait3A_794 = arith.constant 0 : i32
      %dma_wait3A_795 = arith.constant 0 : i32
      %dma_wait3A_796 = tpu.memref_slice %arg4[%add3A_789, %dma_wait3A_794, %dma_wait3A_795] : memref<4096x64x128xf32, #tpu.memory_space<hbm>> -> memref<1x64x128xf32, #tpu.memory_space<hbm>>
      %dma_wait3A_797 = tpu.memref_squeeze %dma_wait3A_796 : memref<1x64x128xf32, #tpu.memory_space<hbm>> -> memref<64x128xf32, #tpu.memory_space<hbm>>
      tpu.wait_dma2 semaphore(%arg31 : memref<!tpu.dma_semaphore, #tpu.memory_space<semaphore_mem>>) src(%arg15 : memref<64x128xf32, #tpu.memory_space<vmem>>) dst(%dma_wait3A_797 : memref<64x128xf32, #tpu.memory_space<hbm>>)
      %add3A_798 = arith.constant 4 : i32
      %add3A_799 = arith.addi %add3A_767, %add3A_798 : i32
      %dma_start3A_800 = arith.constant 0 : i32
      %dma_start3A_801 = tpu.memref_slice %arg5[%add3A_799, %dma_start3A_800] : memref<128x64xi32, #tpu.memory_space<vmem>> -> memref<1x64xi32, #tpu.memory_space<vmem>>
      %dma_start3A_802 = tpu.memref_squeeze %dma_start3A_801 : memref<1x64xi32, #tpu.memory_space<vmem>> -> memref<64xi32, #tpu.memory_space<vmem>>
      %dma_start3A_803 = arith.constant 0 : i32
      %dma_start3A_804 = arith.constant 0 : i32
      %dma_start3A_805 = tpu.memref_slice %arg7[%dma_start3A_803, %dma_start3A_804] : memref<14x128xf32, #tpu.memory_space<vmem_shared>> -> memref<14x128xf32, #tpu.memory_space<vmem_shared>>
      tpu.enqueue_indirect_dma source(%dma_start3A_805 : memref<14x128xf32, #tpu.memory_space<vmem_shared>>) target(%arg15 : memref<64x128xf32, #tpu.memory_space<vmem>>) offsets(%dma_start3A_802 : memref<64xi32, #tpu.memory_space<vmem>>) semaphore(%arg23 : memref<!tpu.dma_semaphore, #tpu.memory_space<semaphore_mem>>)
      %add3A_806 = arith.constant 1 : i32
      %add3A_807 = arith.addi %scan3A_630, %add3A_806 : i32
      %mul3A_808 = arith.constant 8 : i32
      %mul3A_809 = arith.muli %add3A_807, %mul3A_808 : i32
      %add3A_810 = arith.constant 4 : i32
      %add3A_811 = arith.addi %mul3A_809, %add3A_810 : i32
      %dma_wait3A_812 = arith.constant 0 : i32
      %dma_wait3A_813 = tpu.memref_slice %arg5[%add3A_811, %dma_wait3A_812] : memref<128x64xi32, #tpu.memory_space<vmem>> -> memref<1x64xi32, #tpu.memory_space<vmem>>
      %dma_wait3A_814 = tpu.memref_squeeze %dma_wait3A_813 : memref<1x64xi32, #tpu.memory_space<vmem>> -> memref<64xi32, #tpu.memory_space<vmem>>
      %dma_wait3A_815 = arith.constant 0 : i32
      %dma_wait3A_816 = arith.constant 0 : i32
      %dma_wait3A_817 = tpu.memref_slice %arg7[%dma_wait3A_815, %dma_wait3A_816] : memref<14x128xf32, #tpu.memory_space<vmem_shared>> -> memref<14x128xf32, #tpu.memory_space<vmem_shared>>
      tpu.wait_indirect_dma semaphore(%arg20 : memref<!tpu.dma_semaphore, #tpu.memory_space<semaphore_mem>>) src(%dma_wait3A_817 : memref<14x128xf32, #tpu.memory_space<vmem_shared>>) dst(%arg12 : memref<64x128xf32, #tpu.memory_space<vmem>>)
      %mul3A_818 = arith.constant 128 : i32
      %mul3A_819 = arith.muli %add3A, %mul3A_818 : i32
      %add3A_820 = arith.addi %mul3A_819, %add3A_811 : i32
      %dma_start3A_821 = arith.constant 0 : i32
      %dma_start3A_822 = arith.constant 0 : i32
      %dma_start3A_823 = tpu.memref_slice %arg4[%add3A_820, %dma_start3A_821, %dma_start3A_822] : memref<4096x64x128xf32, #tpu.memory_space<hbm>> -> memref<1x64x128xf32, #tpu.memory_space<hbm>>
      %dma_start3A_824 = tpu.memref_squeeze %dma_start3A_823 : memref<1x64x128xf32, #tpu.memory_space<hbm>> -> memref<64x128xf32, #tpu.memory_space<hbm>>
      %dma_start3A_825 = arith.constant 0 : i32
      %dma_start3A_826 = arith.constant 0 : i32
      %dma_start3A_827 = tpu.memref_slice %arg4[%add3A_820, %dma_start3A_825, %dma_start3A_826] : memref<4096x64x128xf32, #tpu.memory_space<hbm>> -> memref<1x64x128xf32, #tpu.memory_space<hbm>>
      %dma_start3A_828 = tpu.memref_squeeze %dma_start3A_827 : memref<1x64x128xf32, #tpu.memory_space<hbm>> -> memref<64x128xf32, #tpu.memory_space<hbm>>
      tpu.enqueue_dma source(%arg12 : memref<64x128xf32, #tpu.memory_space<vmem>>) target(%dma_start3A_828 : memref<64x128xf32, #tpu.memory_space<hbm>>) target_semaphore(%arg28 : memref<!tpu.dma_semaphore, #tpu.memory_space<semaphore_mem>>)
      %sub3A_829 = arith.constant 4 : i32
      %sub3A_830 = arith.subi %add3A_811, %sub3A_829 : i32
      %mul3A_831 = arith.constant 128 : i32
      %mul3A_832 = arith.muli %add3A, %mul3A_831 : i32
      %add3A_833 = arith.addi %mul3A_832, %sub3A_830 : i32
      %dma_wait3A_834 = arith.constant 0 : i32
      %dma_wait3A_835 = arith.constant 0 : i32
      %dma_wait3A_836 = tpu.memref_slice %arg4[%add3A_833, %dma_wait3A_834, %dma_wait3A_835] : memref<4096x64x128xf32, #tpu.memory_space<hbm>> -> memref<1x64x128xf32, #tpu.memory_space<hbm>>
      %dma_wait3A_837 = tpu.memref_squeeze %dma_wait3A_836 : memref<1x64x128xf32, #tpu.memory_space<hbm>> -> memref<64x128xf32, #tpu.memory_space<hbm>>
      %dma_wait3A_838 = arith.constant 0 : i32
      %dma_wait3A_839 = arith.constant 0 : i32
      %dma_wait3A_840 = tpu.memref_slice %arg4[%add3A_833, %dma_wait3A_838, %dma_wait3A_839] : memref<4096x64x128xf32, #tpu.memory_space<hbm>> -> memref<1x64x128xf32, #tpu.memory_space<hbm>>
      %dma_wait3A_841 = tpu.memref_squeeze %dma_wait3A_840 : memref<1x64x128xf32, #tpu.memory_space<hbm>> -> memref<64x128xf32, #tpu.memory_space<hbm>>
      tpu.wait_dma2 semaphore(%arg24 : memref<!tpu.dma_semaphore, #tpu.memory_space<semaphore_mem>>) src(%arg8 : memref<64x128xf32, #tpu.memory_space<vmem>>) dst(%dma_wait3A_841 : memref<64x128xf32, #tpu.memory_space<hbm>>)
      %add3A_842 = arith.constant 4 : i32
      %add3A_843 = arith.addi %add3A_811, %add3A_842 : i32
      %dma_start3A_844 = arith.constant 0 : i32
      %dma_start3A_845 = tpu.memref_slice %arg5[%add3A_843, %dma_start3A_844] : memref<128x64xi32, #tpu.memory_space<vmem>> -> memref<1x64xi32, #tpu.memory_space<vmem>>
      %dma_start3A_846 = tpu.memref_squeeze %dma_start3A_845 : memref<1x64xi32, #tpu.memory_space<vmem>> -> memref<64xi32, #tpu.memory_space<vmem>>
      %dma_start3A_847 = arith.constant 0 : i32
      %dma_start3A_848 = arith.constant 0 : i32
      %dma_start3A_849 = tpu.memref_slice %arg7[%dma_start3A_847, %dma_start3A_848] : memref<14x128xf32, #tpu.memory_space<vmem_shared>> -> memref<14x128xf32, #tpu.memory_space<vmem_shared>>
      tpu.enqueue_indirect_dma source(%dma_start3A_849 : memref<14x128xf32, #tpu.memory_space<vmem_shared>>) target(%arg8 : memref<64x128xf32, #tpu.memory_space<vmem>>) offsets(%dma_start3A_846 : memref<64xi32, #tpu.memory_space<vmem>>) semaphore(%arg16 : memref<!tpu.dma_semaphore, #tpu.memory_space<semaphore_mem>>)
      %add3A_850 = arith.constant 1 : i32
      %add3A_851 = arith.addi %scan3A_630, %add3A_850 : i32
      %mul3A_852 = arith.constant 8 : i32
      %mul3A_853 = arith.muli %add3A_851, %mul3A_852 : i32
      %add3A_854 = arith.constant 5 : i32
      %add3A_855 = arith.addi %mul3A_853, %add3A_854 : i32
      %dma_wait3A_856 = arith.constant 0 : i32
      %dma_wait3A_857 = tpu.memref_slice %arg5[%add3A_855, %dma_wait3A_856] : memref<128x64xi32, #tpu.memory_space<vmem>> -> memref<1x64xi32, #tpu.memory_space<vmem>>
      %dma_wait3A_858 = tpu.memref_squeeze %dma_wait3A_857 : memref<1x64xi32, #tpu.memory_space<vmem>> -> memref<64xi32, #tpu.memory_space<vmem>>
      %dma_wait3A_859 = arith.constant 0 : i32
      %dma_wait3A_860 = arith.constant 0 : i32
      %dma_wait3A_861 = tpu.memref_slice %arg7[%dma_wait3A_859, %dma_wait3A_860] : memref<14x128xf32, #tpu.memory_space<vmem_shared>> -> memref<14x128xf32, #tpu.memory_space<vmem_shared>>
      tpu.wait_indirect_dma semaphore(%arg21 : memref<!tpu.dma_semaphore, #tpu.memory_space<semaphore_mem>>) src(%dma_wait3A_861 : memref<14x128xf32, #tpu.memory_space<vmem_shared>>) dst(%arg13 : memref<64x128xf32, #tpu.memory_space<vmem>>)
      %mul3A_862 = arith.constant 128 : i32
      %mul3A_863 = arith.muli %add3A, %mul3A_862 : i32
      %add3A_864 = arith.addi %mul3A_863, %add3A_855 : i32
      %dma_start3A_865 = arith.constant 0 : i32
      %dma_start3A_866 = arith.constant 0 : i32
      %dma_start3A_867 = tpu.memref_slice %arg4[%add3A_864, %dma_start3A_865, %dma_start3A_866] : memref<4096x64x128xf32, #tpu.memory_space<hbm>> -> memref<1x64x128xf32, #tpu.memory_space<hbm>>
      %dma_start3A_868 = tpu.memref_squeeze %dma_start3A_867 : memref<1x64x128xf32, #tpu.memory_space<hbm>> -> memref<64x128xf32, #tpu.memory_space<hbm>>
      %dma_start3A_869 = arith.constant 0 : i32
      %dma_start3A_870 = arith.constant 0 : i32
      %dma_start3A_871 = tpu.memref_slice %arg4[%add3A_864, %dma_start3A_869, %dma_start3A_870] : memref<4096x64x128xf32, #tpu.memory_space<hbm>> -> memref<1x64x128xf32, #tpu.memory_space<hbm>>
      %dma_start3A_872 = tpu.memref_squeeze %dma_start3A_871 : memref<1x64x128xf32, #tpu.memory_space<hbm>> -> memref<64x128xf32, #tpu.memory_space<hbm>>
      tpu.enqueue_dma source(%arg13 : memref<64x128xf32, #tpu.memory_space<vmem>>) target(%dma_start3A_872 : memref<64x128xf32, #tpu.memory_space<hbm>>) target_semaphore(%arg29 : memref<!tpu.dma_semaphore, #tpu.memory_space<semaphore_mem>>)
      %sub3A_873 = arith.constant 4 : i32
      %sub3A_874 = arith.subi %add3A_855, %sub3A_873 : i32
      %mul3A_875 = arith.constant 128 : i32
      %mul3A_876 = arith.muli %add3A, %mul3A_875 : i32
      %add3A_877 = arith.addi %mul3A_876, %sub3A_874 : i32
      %dma_wait3A_878 = arith.constant 0 : i32
      %dma_wait3A_879 = arith.constant 0 : i32
      %dma_wait3A_880 = tpu.memref_slice %arg4[%add3A_877, %dma_wait3A_878, %dma_wait3A_879] : memref<4096x64x128xf32, #tpu.memory_space<hbm>> -> memref<1x64x128xf32, #tpu.memory_space<hbm>>
      %dma_wait3A_881 = tpu.memref_squeeze %dma_wait3A_880 : memref<1x64x128xf32, #tpu.memory_space<hbm>> -> memref<64x128xf32, #tpu.memory_space<hbm>>
      %dma_wait3A_882 = arith.constant 0 : i32
      %dma_wait3A_883 = arith.constant 0 : i32
      %dma_wait3A_884 = tpu.memref_slice %arg4[%add3A_877, %dma_wait3A_882, %dma_wait3A_883] : memref<4096x64x128xf32, #tpu.memory_space<hbm>> -> memref<1x64x128xf32, #tpu.memory_space<hbm>>
      %dma_wait3A_885 = tpu.memref_squeeze %dma_wait3A_884 : memref<1x64x128xf32, #tpu.memory_space<hbm>> -> memref<64x128xf32, #tpu.memory_space<hbm>>
      tpu.wait_dma2 semaphore(%arg25 : memref<!tpu.dma_semaphore, #tpu.memory_space<semaphore_mem>>) src(%arg9 : memref<64x128xf32, #tpu.memory_space<vmem>>) dst(%dma_wait3A_885 : memref<64x128xf32, #tpu.memory_space<hbm>>)
      %add3A_886 = arith.constant 4 : i32
      %add3A_887 = arith.addi %add3A_855, %add3A_886 : i32
      %dma_start3A_888 = arith.constant 0 : i32
      %dma_start3A_889 = tpu.memref_slice %arg5[%add3A_887, %dma_start3A_888] : memref<128x64xi32, #tpu.memory_space<vmem>> -> memref<1x64xi32, #tpu.memory_space<vmem>>
      %dma_start3A_890 = tpu.memref_squeeze %dma_start3A_889 : memref<1x64xi32, #tpu.memory_space<vmem>> -> memref<64xi32, #tpu.memory_space<vmem>>
      %dma_start3A_891 = arith.constant 0 : i32
      %dma_start3A_892 = arith.constant 0 : i32
      %dma_start3A_893 = tpu.memref_slice %arg7[%dma_start3A_891, %dma_start3A_892] : memref<14x128xf32, #tpu.memory_space<vmem_shared>> -> memref<14x128xf32, #tpu.memory_space<vmem_shared>>
      tpu.enqueue_indirect_dma source(%dma_start3A_893 : memref<14x128xf32, #tpu.memory_space<vmem_shared>>) target(%arg9 : memref<64x128xf32, #tpu.memory_space<vmem>>) offsets(%dma_start3A_890 : memref<64xi32, #tpu.memory_space<vmem>>) semaphore(%arg17 : memref<!tpu.dma_semaphore, #tpu.memory_space<semaphore_mem>>)
      %add3A_894 = arith.constant 1 : i32
      %add3A_895 = arith.addi %scan3A_630, %add3A_894 : i32
      %mul3A_896 = arith.constant 8 : i32
      %mul3A_897 = arith.muli %add3A_895, %mul3A_896 : i32
      %add3A_898 = arith.constant 6 : i32
      %add3A_899 = arith.addi %mul3A_897, %add3A_898 : i32
      %dma_wait3A_900 = arith.constant 0 : i32
      %dma_wait3A_901 = tpu.memref_slice %arg5[%add3A_899, %dma_wait3A_900] : memref<128x64xi32, #tpu.memory_space<vmem>> -> memref<1x64xi32, #tpu.memory_space<vmem>>
      %dma_wait3A_902 = tpu.memref_squeeze %dma_wait3A_901 : memref<1x64xi32, #tpu.memory_space<vmem>> -> memref<64xi32, #tpu.memory_space<vmem>>
      %dma_wait3A_903 = arith.constant 0 : i32
      %dma_wait3A_904 = arith.constant 0 : i32
      %dma_wait3A_905 = tpu.memref_slice %arg7[%dma_wait3A_903, %dma_wait3A_904] : memref<14x128xf32, #tpu.memory_space<vmem_shared>> -> memref<14x128xf32, #tpu.memory_space<vmem_shared>>
      tpu.wait_indirect_dma semaphore(%arg22 : memref<!tpu.dma_semaphore, #tpu.memory_space<semaphore_mem>>) src(%dma_wait3A_905 : memref<14x128xf32, #tpu.memory_space<vmem_shared>>) dst(%arg14 : memref<64x128xf32, #tpu.memory_space<vmem>>)
      %mul3A_906 = arith.constant 128 : i32
      %mul3A_907 = arith.muli %add3A, %mul3A_906 : i32
      %add3A_908 = arith.addi %mul3A_907, %add3A_899 : i32
      %dma_start3A_909 = arith.constant 0 : i32
      %dma_start3A_910 = arith.constant 0 : i32
      %dma_start3A_911 = tpu.memref_slice %arg4[%add3A_908, %dma_start3A_909, %dma_start3A_910] : memref<4096x64x128xf32, #tpu.memory_space<hbm>> -> memref<1x64x128xf32, #tpu.memory_space<hbm>>
      %dma_start3A_912 = tpu.memref_squeeze %dma_start3A_911 : memref<1x64x128xf32, #tpu.memory_space<hbm>> -> memref<64x128xf32, #tpu.memory_space<hbm>>
      %dma_start3A_913 = arith.constant 0 : i32
      %dma_start3A_914 = arith.constant 0 : i32
      %dma_start3A_915 = tpu.memref_slice %arg4[%add3A_908, %dma_start3A_913, %dma_start3A_914] : memref<4096x64x128xf32, #tpu.memory_space<hbm>> -> memref<1x64x128xf32, #tpu.memory_space<hbm>>
      %dma_start3A_916 = tpu.memref_squeeze %dma_start3A_915 : memref<1x64x128xf32, #tpu.memory_space<hbm>> -> memref<64x128xf32, #tpu.memory_space<hbm>>
      tpu.enqueue_dma source(%arg14 : memref<64x128xf32, #tpu.memory_space<vmem>>) target(%dma_start3A_916 : memref<64x128xf32, #tpu.memory_space<hbm>>) target_semaphore(%arg30 : memref<!tpu.dma_semaphore, #tpu.memory_space<semaphore_mem>>)
      %sub3A_917 = arith.constant 4 : i32
      %sub3A_918 = arith.subi %add3A_899, %sub3A_917 : i32
      %mul3A_919 = arith.constant 128 : i32
      %mul3A_920 = arith.muli %add3A, %mul3A_919 : i32
      %add3A_921 = arith.addi %mul3A_920, %sub3A_918 : i32
      %dma_wait3A_922 = arith.constant 0 : i32
      %dma_wait3A_923 = arith.constant 0 : i32
      %dma_wait3A_924 = tpu.memref_slice %arg4[%add3A_921, %dma_wait3A_922, %dma_wait3A_923] : memref<4096x64x128xf32, #tpu.memory_space<hbm>> -> memref<1x64x128xf32, #tpu.memory_space<hbm>>
      %dma_wait3A_925 = tpu.memref_squeeze %dma_wait3A_924 : memref<1x64x128xf32, #tpu.memory_space<hbm>> -> memref<64x128xf32, #tpu.memory_space<hbm>>
      %dma_wait3A_926 = arith.constant 0 : i32
      %dma_wait3A_927 = arith.constant 0 : i32
      %dma_wait3A_928 = tpu.memref_slice %arg4[%add3A_921, %dma_wait3A_926, %dma_wait3A_927] : memref<4096x64x128xf32, #tpu.memory_space<hbm>> -> memref<1x64x128xf32, #tpu.memory_space<hbm>>
      %dma_wait3A_929 = tpu.memref_squeeze %dma_wait3A_928 : memref<1x64x128xf32, #tpu.memory_space<hbm>> -> memref<64x128xf32, #tpu.memory_space<hbm>>
      tpu.wait_dma2 semaphore(%arg26 : memref<!tpu.dma_semaphore, #tpu.memory_space<semaphore_mem>>) src(%arg10 : memref<64x128xf32, #tpu.memory_space<vmem>>) dst(%dma_wait3A_929 : memref<64x128xf32, #tpu.memory_space<hbm>>)
      %add3A_930 = arith.constant 4 : i32
      %add3A_931 = arith.addi %add3A_899, %add3A_930 : i32
      %dma_start3A_932 = arith.constant 0 : i32
      %dma_start3A_933 = tpu.memref_slice %arg5[%add3A_931, %dma_start3A_932] : memref<128x64xi32, #tpu.memory_space<vmem>> -> memref<1x64xi32, #tpu.memory_space<vmem>>
      %dma_start3A_934 = tpu.memref_squeeze %dma_start3A_933 : memref<1x64xi32, #tpu.memory_space<vmem>> -> memref<64xi32, #tpu.memory_space<vmem>>
      %dma_start3A_935 = arith.constant 0 : i32
      %dma_start3A_936 = arith.constant 0 : i32
      %dma_start3A_937 = tpu.memref_slice %arg7[%dma_start3A_935, %dma_start3A_936] : memref<14x128xf32, #tpu.memory_space<vmem_shared>> -> memref<14x128xf32, #tpu.memory_space<vmem_shared>>
      tpu.enqueue_indirect_dma source(%dma_start3A_937 : memref<14x128xf32, #tpu.memory_space<vmem_shared>>) target(%arg10 : memref<64x128xf32, #tpu.memory_space<vmem>>) offsets(%dma_start3A_934 : memref<64xi32, #tpu.memory_space<vmem>>) semaphore(%arg18 : memref<!tpu.dma_semaphore, #tpu.memory_space<semaphore_mem>>)
      %add3A_938 = arith.constant 1 : i32
      %add3A_939 = arith.addi %scan3A_630, %add3A_938 : i32
      %mul3A_940 = arith.constant 8 : i32
      %mul3A_941 = arith.muli %add3A_939, %mul3A_940 : i32
      %add3A_942 = arith.constant 7 : i32
      %add3A_943 = arith.addi %mul3A_941, %add3A_942 : i32
      %dma_wait3A_944 = arith.constant 0 : i32
      %dma_wait3A_945 = tpu.memref_slice %arg5[%add3A_943, %dma_wait3A_944] : memref<128x64xi32, #tpu.memory_space<vmem>> -> memref<1x64xi32, #tpu.memory_space<vmem>>
      %dma_wait3A_946 = tpu.memref_squeeze %dma_wait3A_945 : memref<1x64xi32, #tpu.memory_space<vmem>> -> memref<64xi32, #tpu.memory_space<vmem>>
      %dma_wait3A_947 = arith.constant 0 : i32
      %dma_wait3A_948 = arith.constant 0 : i32
      %dma_wait3A_949 = tpu.memref_slice %arg7[%dma_wait3A_947, %dma_wait3A_948] : memref<14x128xf32, #tpu.memory_space<vmem_shared>> -> memref<14x128xf32, #tpu.memory_space<vmem_shared>>
      tpu.wait_indirect_dma semaphore(%arg23 : memref<!tpu.dma_semaphore, #tpu.memory_space<semaphore_mem>>) src(%dma_wait3A_949 : memref<14x128xf32, #tpu.memory_space<vmem_shared>>) dst(%arg15 : memref<64x128xf32, #tpu.memory_space<vmem>>)
      %mul3A_950 = arith.constant 128 : i32
      %mul3A_951 = arith.muli %add3A, %mul3A_950 : i32
      %add3A_952 = arith.addi %mul3A_951, %add3A_943 : i32
      %dma_start3A_953 = arith.constant 0 : i32
      %dma_start3A_954 = arith.constant 0 : i32
      %dma_start3A_955 = tpu.memref_slice %arg4[%add3A_952, %dma_start3A_953, %dma_start3A_954] : memref<4096x64x128xf32, #tpu.memory_space<hbm>> -> memref<1x64x128xf32, #tpu.memory_space<hbm>>
      %dma_start3A_956 = tpu.memref_squeeze %dma_start3A_955 : memref<1x64x128xf32, #tpu.memory_space<hbm>> -> memref<64x128xf32, #tpu.memory_space<hbm>>
      %dma_start3A_957 = arith.constant 0 : i32
      %dma_start3A_958 = arith.constant 0 : i32
      %dma_start3A_959 = tpu.memref_slice %arg4[%add3A_952, %dma_start3A_957, %dma_start3A_958] : memref<4096x64x128xf32, #tpu.memory_space<hbm>> -> memref<1x64x128xf32, #tpu.memory_space<hbm>>
      %dma_start3A_960 = tpu.memref_squeeze %dma_start3A_959 : memref<1x64x128xf32, #tpu.memory_space<hbm>> -> memref<64x128xf32, #tpu.memory_space<hbm>>
      tpu.enqueue_dma source(%arg15 : memref<64x128xf32, #tpu.memory_space<vmem>>) target(%dma_start3A_960 : memref<64x128xf32, #tpu.memory_space<hbm>>) target_semaphore(%arg31 : memref<!tpu.dma_semaphore, #tpu.memory_space<semaphore_mem>>)
      %sub3A_961 = arith.constant 4 : i32
      %sub3A_962 = arith.subi %add3A_943, %sub3A_961 : i32
      %mul3A_963 = arith.constant 128 : i32
      %mul3A_964 = arith.muli %add3A, %mul3A_963 : i32
      %add3A_965 = arith.addi %mul3A_964, %sub3A_962 : i32
      %dma_wait3A_966 = arith.constant 0 : i32
      %dma_wait3A_967 = arith.constant 0 : i32
      %dma_wait3A_968 = tpu.memref_slice %arg4[%add3A_965, %dma_wait3A_966, %dma_wait3A_967] : memref<4096x64x128xf32, #tpu.memory_space<hbm>> -> memref<1x64x128xf32, #tpu.memory_space<hbm>>
      %dma_wait3A_969 = tpu.memref_squeeze %dma_wait3A_968 : memref<1x64x128xf32, #tpu.memory_space<hbm>> -> memref<64x128xf32, #tpu.memory_space<hbm>>
      %dma_wait3A_970 = arith.constant 0 : i32
      %dma_wait3A_971 = arith.constant 0 : i32
      %dma_wait3A_972 = tpu.memref_slice %arg4[%add3A_965, %dma_wait3A_970, %dma_wait3A_971] : memref<4096x64x128xf32, #tpu.memory_space<hbm>> -> memref<1x64x128xf32, #tpu.memory_space<hbm>>
      %dma_wait3A_973 = tpu.memref_squeeze %dma_wait3A_972 : memref<1x64x128xf32, #tpu.memory_space<hbm>> -> memref<64x128xf32, #tpu.memory_space<hbm>>
      tpu.wait_dma2 semaphore(%arg27 : memref<!tpu.dma_semaphore, #tpu.memory_space<semaphore_mem>>) src(%arg11 : memref<64x128xf32, #tpu.memory_space<vmem>>) dst(%dma_wait3A_973 : memref<64x128xf32, #tpu.memory_space<hbm>>)
      %add3A_974 = arith.constant 4 : i32
      %add3A_975 = arith.addi %add3A_943, %add3A_974 : i32
      %dma_start3A_976 = arith.constant 0 : i32
      %dma_start3A_977 = tpu.memref_slice %arg5[%add3A_975, %dma_start3A_976] : memref<128x64xi32, #tpu.memory_space<vmem>> -> memref<1x64xi32, #tpu.memory_space<vmem>>
      %dma_start3A_978 = tpu.memref_squeeze %dma_start3A_977 : memref<1x64xi32, #tpu.memory_space<vmem>> -> memref<64xi32, #tpu.memory_space<vmem>>
      %dma_start3A_979 = arith.constant 0 : i32
      %dma_start3A_980 = arith.constant 0 : i32
      %dma_start3A_981 = tpu.memref_slice %arg7[%dma_start3A_979, %dma_start3A_980] : memref<14x128xf32, #tpu.memory_space<vmem_shared>> -> memref<14x128xf32, #tpu.memory_space<vmem_shared>>
      tpu.enqueue_indirect_dma source(%dma_start3A_981 : memref<14x128xf32, #tpu.memory_space<vmem_shared>>) target(%arg11 : memref<64x128xf32, #tpu.memory_space<vmem>>) offsets(%dma_start3A_978 : memref<64xi32, #tpu.memory_space<vmem>>) semaphore(%arg19 : memref<!tpu.dma_semaphore, #tpu.memory_space<semaphore_mem>>)
    }
    %scan3A_305 = arith.constant 14 : i32
    %dma_wait3A_306 = arith.constant 120 : i32
    %dma_wait3A_307 = arith.constant 0 : i32
    %dma_wait3A_308 = tpu.memref_slice %arg5[%dma_wait3A_306, %dma_wait3A_307] : memref<128x64xi32, #tpu.memory_space<vmem>> -> memref<1x64xi32, #tpu.memory_space<vmem>>
    %dma_wait3A_309 = tpu.memref_squeeze %dma_wait3A_308 : memref<1x64xi32, #tpu.memory_space<vmem>> -> memref<64xi32, #tpu.memory_space<vmem>>
    %dma_wait3A_310 = arith.constant 0 : i32
    %dma_wait3A_311 = arith.constant 0 : i32
    %dma_wait3A_312 = tpu.memref_slice %arg7[%dma_wait3A_310, %dma_wait3A_311] : memref<14x128xf32, #tpu.memory_space<vmem_shared>> -> memref<14x128xf32, #tpu.memory_space<vmem_shared>>
    tpu.wait_indirect_dma semaphore(%arg16 : memref<!tpu.dma_semaphore, #tpu.memory_space<semaphore_mem>>) src(%dma_wait3A_312 : memref<14x128xf32, #tpu.memory_space<vmem_shared>>) dst(%arg8 : memref<64x128xf32, #tpu.memory_space<vmem>>)
    %mul3A_313 = arith.constant 128 : i32
    %mul3A_314 = arith.muli %add3A, %mul3A_313 : i32
    %add3A_315 = arith.constant 120 : i32
    %add3A_316 = arith.addi %mul3A_314, %add3A_315 : i32
    %dma_start3A_317 = arith.constant 0 : i32
    %dma_start3A_318 = arith.constant 0 : i32
    %dma_start3A_319 = tpu.memref_slice %arg4[%add3A_316, %dma_start3A_317, %dma_start3A_318] : memref<4096x64x128xf32, #tpu.memory_space<hbm>> -> memref<1x64x128xf32, #tpu.memory_space<hbm>>
    %dma_start3A_320 = tpu.memref_squeeze %dma_start3A_319 : memref<1x64x128xf32, #tpu.memory_space<hbm>> -> memref<64x128xf32, #tpu.memory_space<hbm>>
    %dma_start3A_321 = arith.constant 0 : i32
    %dma_start3A_322 = arith.constant 0 : i32
    %dma_start3A_323 = tpu.memref_slice %arg4[%add3A_316, %dma_start3A_321, %dma_start3A_322] : memref<4096x64x128xf32, #tpu.memory_space<hbm>> -> memref<1x64x128xf32, #tpu.memory_space<hbm>>
    %dma_start3A_324 = tpu.memref_squeeze %dma_start3A_323 : memref<1x64x128xf32, #tpu.memory_space<hbm>> -> memref<64x128xf32, #tpu.memory_space<hbm>>
    tpu.enqueue_dma source(%arg8 : memref<64x128xf32, #tpu.memory_space<vmem>>) target(%dma_start3A_324 : memref<64x128xf32, #tpu.memory_space<hbm>>) target_semaphore(%arg24 : memref<!tpu.dma_semaphore, #tpu.memory_space<semaphore_mem>>)
    %mul3A_325 = arith.constant 128 : i32
    %mul3A_326 = arith.muli %add3A, %mul3A_325 : i32
    %add3A_327 = arith.constant 116 : i32
    %add3A_328 = arith.addi %mul3A_326, %add3A_327 : i32
    %dma_wait3A_329 = arith.constant 0 : i32
    %dma_wait3A_330 = arith.constant 0 : i32
    %dma_wait3A_331 = tpu.memref_slice %arg4[%add3A_328, %dma_wait3A_329, %dma_wait3A_330] : memref<4096x64x128xf32, #tpu.memory_space<hbm>> -> memref<1x64x128xf32, #tpu.memory_space<hbm>>
    %dma_wait3A_332 = tpu.memref_squeeze %dma_wait3A_331 : memref<1x64x128xf32, #tpu.memory_space<hbm>> -> memref<64x128xf32, #tpu.memory_space<hbm>>
    %dma_wait3A_333 = arith.constant 0 : i32
    %dma_wait3A_334 = arith.constant 0 : i32
    %dma_wait3A_335 = tpu.memref_slice %arg4[%add3A_328, %dma_wait3A_333, %dma_wait3A_334] : memref<4096x64x128xf32, #tpu.memory_space<hbm>> -> memref<1x64x128xf32, #tpu.memory_space<hbm>>
    %dma_wait3A_336 = tpu.memref_squeeze %dma_wait3A_335 : memref<1x64x128xf32, #tpu.memory_space<hbm>> -> memref<64x128xf32, #tpu.memory_space<hbm>>
    tpu.wait_dma2 semaphore(%arg28 : memref<!tpu.dma_semaphore, #tpu.memory_space<semaphore_mem>>) src(%arg12 : memref<64x128xf32, #tpu.memory_space<vmem>>) dst(%dma_wait3A_336 : memref<64x128xf32, #tpu.memory_space<hbm>>)
    %dma_start3A_337 = arith.constant 124 : i32
    %dma_start3A_338 = arith.constant 0 : i32
    %dma_start3A_339 = tpu.memref_slice %arg5[%dma_start3A_337, %dma_start3A_338] : memref<128x64xi32, #tpu.memory_space<vmem>> -> memref<1x64xi32, #tpu.memory_space<vmem>>
    %dma_start3A_340 = tpu.memref_squeeze %dma_start3A_339 : memref<1x64xi32, #tpu.memory_space<vmem>> -> memref<64xi32, #tpu.memory_space<vmem>>
    %dma_start3A_341 = arith.constant 0 : i32
    %dma_start3A_342 = arith.constant 0 : i32
    %dma_start3A_343 = tpu.memref_slice %arg7[%dma_start3A_341, %dma_start3A_342] : memref<14x128xf32, #tpu.memory_space<vmem_shared>> -> memref<14x128xf32, #tpu.memory_space<vmem_shared>>
    tpu.enqueue_indirect_dma source(%dma_start3A_343 : memref<14x128xf32, #tpu.memory_space<vmem_shared>>) target(%arg12 : memref<64x128xf32, #tpu.memory_space<vmem>>) offsets(%dma_start3A_340 : memref<64xi32, #tpu.memory_space<vmem>>) semaphore(%arg20 : memref<!tpu.dma_semaphore, #tpu.memory_space<semaphore_mem>>)
    %dma_wait3A_344 = arith.constant 121 : i32
    %dma_wait3A_345 = arith.constant 0 : i32
    %dma_wait3A_346 = tpu.memref_slice %arg5[%dma_wait3A_344, %dma_wait3A_345] : memref<128x64xi32, #tpu.memory_space<vmem>> -> memref<1x64xi32, #tpu.memory_space<vmem>>
    %dma_wait3A_347 = tpu.memref_squeeze %dma_wait3A_346 : memref<1x64xi32, #tpu.memory_space<vmem>> -> memref<64xi32, #tpu.memory_space<vmem>>
    %dma_wait3A_348 = arith.constant 0 : i32
    %dma_wait3A_349 = arith.constant 0 : i32
    %dma_wait3A_350 = tpu.memref_slice %arg7[%dma_wait3A_348, %dma_wait3A_349] : memref<14x128xf32, #tpu.memory_space<vmem_shared>> -> memref<14x128xf32, #tpu.memory_space<vmem_shared>>
    tpu.wait_indirect_dma semaphore(%arg17 : memref<!tpu.dma_semaphore, #tpu.memory_space<semaphore_mem>>) src(%dma_wait3A_350 : memref<14x128xf32, #tpu.memory_space<vmem_shared>>) dst(%arg9 : memref<64x128xf32, #tpu.memory_space<vmem>>)
    %mul3A_351 = arith.constant 128 : i32
    %mul3A_352 = arith.muli %add3A, %mul3A_351 : i32
    %add3A_353 = arith.constant 121 : i32
    %add3A_354 = arith.addi %mul3A_352, %add3A_353 : i32
    %dma_start3A_355 = arith.constant 0 : i32
    %dma_start3A_356 = arith.constant 0 : i32
    %dma_start3A_357 = tpu.memref_slice %arg4[%add3A_354, %dma_start3A_355, %dma_start3A_356] : memref<4096x64x128xf32, #tpu.memory_space<hbm>> -> memref<1x64x128xf32, #tpu.memory_space<hbm>>
    %dma_start3A_358 = tpu.memref_squeeze %dma_start3A_357 : memref<1x64x128xf32, #tpu.memory_space<hbm>> -> memref<64x128xf32, #tpu.memory_space<hbm>>
    %dma_start3A_359 = arith.constant 0 : i32
    %dma_start3A_360 = arith.constant 0 : i32
    %dma_start3A_361 = tpu.memref_slice %arg4[%add3A_354, %dma_start3A_359, %dma_start3A_360] : memref<4096x64x128xf32, #tpu.memory_space<hbm>> -> memref<1x64x128xf32, #tpu.memory_space<hbm>>
    %dma_start3A_362 = tpu.memref_squeeze %dma_start3A_361 : memref<1x64x128xf32, #tpu.memory_space<hbm>> -> memref<64x128xf32, #tpu.memory_space<hbm>>
    tpu.enqueue_dma source(%arg9 : memref<64x128xf32, #tpu.memory_space<vmem>>) target(%dma_start3A_362 : memref<64x128xf32, #tpu.memory_space<hbm>>) target_semaphore(%arg25 : memref<!tpu.dma_semaphore, #tpu.memory_space<semaphore_mem>>)
    %mul3A_363 = arith.constant 128 : i32
    %mul3A_364 = arith.muli %add3A, %mul3A_363 : i32
    %add3A_365 = arith.constant 117 : i32
    %add3A_366 = arith.addi %mul3A_364, %add3A_365 : i32
    %dma_wait3A_367 = arith.constant 0 : i32
    %dma_wait3A_368 = arith.constant 0 : i32
    %dma_wait3A_369 = tpu.memref_slice %arg4[%add3A_366, %dma_wait3A_367, %dma_wait3A_368] : memref<4096x64x128xf32, #tpu.memory_space<hbm>> -> memref<1x64x128xf32, #tpu.memory_space<hbm>>
    %dma_wait3A_370 = tpu.memref_squeeze %dma_wait3A_369 : memref<1x64x128xf32, #tpu.memory_space<hbm>> -> memref<64x128xf32, #tpu.memory_space<hbm>>
    %dma_wait3A_371 = arith.constant 0 : i32
    %dma_wait3A_372 = arith.constant 0 : i32
    %dma_wait3A_373 = tpu.memref_slice %arg4[%add3A_366, %dma_wait3A_371, %dma_wait3A_372] : memref<4096x64x128xf32, #tpu.memory_space<hbm>> -> memref<1x64x128xf32, #tpu.memory_space<hbm>>
    %dma_wait3A_374 = tpu.memref_squeeze %dma_wait3A_373 : memref<1x64x128xf32, #tpu.memory_space<hbm>> -> memref<64x128xf32, #tpu.memory_space<hbm>>
    tpu.wait_dma2 semaphore(%arg29 : memref<!tpu.dma_semaphore, #tpu.memory_space<semaphore_mem>>) src(%arg13 : memref<64x128xf32, #tpu.memory_space<vmem>>) dst(%dma_wait3A_374 : memref<64x128xf32, #tpu.memory_space<hbm>>)
    %dma_start3A_375 = arith.constant 125 : i32
    %dma_start3A_376 = arith.constant 0 : i32
    %dma_start3A_377 = tpu.memref_slice %arg5[%dma_start3A_375, %dma_start3A_376] : memref<128x64xi32, #tpu.memory_space<vmem>> -> memref<1x64xi32, #tpu.memory_space<vmem>>
    %dma_start3A_378 = tpu.memref_squeeze %dma_start3A_377 : memref<1x64xi32, #tpu.memory_space<vmem>> -> memref<64xi32, #tpu.memory_space<vmem>>
    %dma_start3A_379 = arith.constant 0 : i32
    %dma_start3A_380 = arith.constant 0 : i32
    %dma_start3A_381 = tpu.memref_slice %arg7[%dma_start3A_379, %dma_start3A_380] : memref<14x128xf32, #tpu.memory_space<vmem_shared>> -> memref<14x128xf32, #tpu.memory_space<vmem_shared>>
    tpu.enqueue_indirect_dma source(%dma_start3A_381 : memref<14x128xf32, #tpu.memory_space<vmem_shared>>) target(%arg13 : memref<64x128xf32, #tpu.memory_space<vmem>>) offsets(%dma_start3A_378 : memref<64xi32, #tpu.memory_space<vmem>>) semaphore(%arg21 : memref<!tpu.dma_semaphore, #tpu.memory_space<semaphore_mem>>)
    %dma_wait3A_382 = arith.constant 122 : i32
    %dma_wait3A_383 = arith.constant 0 : i32
    %dma_wait3A_384 = tpu.memref_slice %arg5[%dma_wait3A_382, %dma_wait3A_383] : memref<128x64xi32, #tpu.memory_space<vmem>> -> memref<1x64xi32, #tpu.memory_space<vmem>>
    %dma_wait3A_385 = tpu.memref_squeeze %dma_wait3A_384 : memref<1x64xi32, #tpu.memory_space<vmem>> -> memref<64xi32, #tpu.memory_space<vmem>>
    %dma_wait3A_386 = arith.constant 0 : i32
    %dma_wait3A_387 = arith.constant 0 : i32
    %dma_wait3A_388 = tpu.memref_slice %arg7[%dma_wait3A_386, %dma_wait3A_387] : memref<14x128xf32, #tpu.memory_space<vmem_shared>> -> memref<14x128xf32, #tpu.memory_space<vmem_shared>>
    tpu.wait_indirect_dma semaphore(%arg18 : memref<!tpu.dma_semaphore, #tpu.memory_space<semaphore_mem>>) src(%dma_wait3A_388 : memref<14x128xf32, #tpu.memory_space<vmem_shared>>) dst(%arg10 : memref<64x128xf32, #tpu.memory_space<vmem>>)
    %mul3A_389 = arith.constant 128 : i32
    %mul3A_390 = arith.muli %add3A, %mul3A_389 : i32
    %add3A_391 = arith.constant 122 : i32
    %add3A_392 = arith.addi %mul3A_390, %add3A_391 : i32
    %dma_start3A_393 = arith.constant 0 : i32
    %dma_start3A_394 = arith.constant 0 : i32
    %dma_start3A_395 = tpu.memref_slice %arg4[%add3A_392, %dma_start3A_393, %dma_start3A_394] : memref<4096x64x128xf32, #tpu.memory_space<hbm>> -> memref<1x64x128xf32, #tpu.memory_space<hbm>>
    %dma_start3A_396 = tpu.memref_squeeze %dma_start3A_395 : memref<1x64x128xf32, #tpu.memory_space<hbm>> -> memref<64x128xf32, #tpu.memory_space<hbm>>
    %dma_start3A_397 = arith.constant 0 : i32
    %dma_start3A_398 = arith.constant 0 : i32
    %dma_start3A_399 = tpu.memref_slice %arg4[%add3A_392, %dma_start3A_397, %dma_start3A_398] : memref<4096x64x128xf32, #tpu.memory_space<hbm>> -> memref<1x64x128xf32, #tpu.memory_space<hbm>>
    %dma_start3A_400 = tpu.memref_squeeze %dma_start3A_399 : memref<1x64x128xf32, #tpu.memory_space<hbm>> -> memref<64x128xf32, #tpu.memory_space<hbm>>
    tpu.enqueue_dma source(%arg10 : memref<64x128xf32, #tpu.memory_space<vmem>>) target(%dma_start3A_400 : memref<64x128xf32, #tpu.memory_space<hbm>>) target_semaphore(%arg26 : memref<!tpu.dma_semaphore, #tpu.memory_space<semaphore_mem>>)
    %mul3A_401 = arith.constant 128 : i32
    %mul3A_402 = arith.muli %add3A, %mul3A_401 : i32
    %add3A_403 = arith.constant 118 : i32
    %add3A_404 = arith.addi %mul3A_402, %add3A_403 : i32
    %dma_wait3A_405 = arith.constant 0 : i32
    %dma_wait3A_406 = arith.constant 0 : i32
    %dma_wait3A_407 = tpu.memref_slice %arg4[%add3A_404, %dma_wait3A_405, %dma_wait3A_406] : memref<4096x64x128xf32, #tpu.memory_space<hbm>> -> memref<1x64x128xf32, #tpu.memory_space<hbm>>
    %dma_wait3A_408 = tpu.memref_squeeze %dma_wait3A_407 : memref<1x64x128xf32, #tpu.memory_space<hbm>> -> memref<64x128xf32, #tpu.memory_space<hbm>>
    %dma_wait3A_409 = arith.constant 0 : i32
    %dma_wait3A_410 = arith.constant 0 : i32
    %dma_wait3A_411 = tpu.memref_slice %arg4[%add3A_404, %dma_wait3A_409, %dma_wait3A_410] : memref<4096x64x128xf32, #tpu.memory_space<hbm>> -> memref<1x64x128xf32, #tpu.memory_space<hbm>>
    %dma_wait3A_412 = tpu.memref_squeeze %dma_wait3A_411 : memref<1x64x128xf32, #tpu.memory_space<hbm>> -> memref<64x128xf32, #tpu.memory_space<hbm>>
    tpu.wait_dma2 semaphore(%arg30 : memref<!tpu.dma_semaphore, #tpu.memory_space<semaphore_mem>>) src(%arg14 : memref<64x128xf32, #tpu.memory_space<vmem>>) dst(%dma_wait3A_412 : memref<64x128xf32, #tpu.memory_space<hbm>>)
    %dma_start3A_413 = arith.constant 126 : i32
    %dma_start3A_414 = arith.constant 0 : i32
    %dma_start3A_415 = tpu.memref_slice %arg5[%dma_start3A_413, %dma_start3A_414] : memref<128x64xi32, #tpu.memory_space<vmem>> -> memref<1x64xi32, #tpu.memory_space<vmem>>
    %dma_start3A_416 = tpu.memref_squeeze %dma_start3A_415 : memref<1x64xi32, #tpu.memory_space<vmem>> -> memref<64xi32, #tpu.memory_space<vmem>>
    %dma_start3A_417 = arith.constant 0 : i32
    %dma_start3A_418 = arith.constant 0 : i32
    %dma_start3A_419 = tpu.memref_slice %arg7[%dma_start3A_417, %dma_start3A_418] : memref<14x128xf32, #tpu.memory_space<vmem_shared>> -> memref<14x128xf32, #tpu.memory_space<vmem_shared>>
    tpu.enqueue_indirect_dma source(%dma_start3A_419 : memref<14x128xf32, #tpu.memory_space<vmem_shared>>) target(%arg14 : memref<64x128xf32, #tpu.memory_space<vmem>>) offsets(%dma_start3A_416 : memref<64xi32, #tpu.memory_space<vmem>>) semaphore(%arg22 : memref<!tpu.dma_semaphore, #tpu.memory_space<semaphore_mem>>)
    %dma_wait3A_420 = arith.constant 123 : i32
    %dma_wait3A_421 = arith.constant 0 : i32
    %dma_wait3A_422 = tpu.memref_slice %arg5[%dma_wait3A_420, %dma_wait3A_421] : memref<128x64xi32, #tpu.memory_space<vmem>> -> memref<1x64xi32, #tpu.memory_space<vmem>>
    %dma_wait3A_423 = tpu.memref_squeeze %dma_wait3A_422 : memref<1x64xi32, #tpu.memory_space<vmem>> -> memref<64xi32, #tpu.memory_space<vmem>>
    %dma_wait3A_424 = arith.constant 0 : i32
    %dma_wait3A_425 = arith.constant 0 : i32
    %dma_wait3A_426 = tpu.memref_slice %arg7[%dma_wait3A_424, %dma_wait3A_425] : memref<14x128xf32, #tpu.memory_space<vmem_shared>> -> memref<14x128xf32, #tpu.memory_space<vmem_shared>>
    tpu.wait_indirect_dma semaphore(%arg19 : memref<!tpu.dma_semaphore, #tpu.memory_space<semaphore_mem>>) src(%dma_wait3A_426 : memref<14x128xf32, #tpu.memory_space<vmem_shared>>) dst(%arg11 : memref<64x128xf32, #tpu.memory_space<vmem>>)
    %mul3A_427 = arith.constant 128 : i32
    %mul3A_428 = arith.muli %add3A, %mul3A_427 : i32
    %add3A_429 = arith.constant 123 : i32
    %add3A_430 = arith.addi %mul3A_428, %add3A_429 : i32
    %dma_start3A_431 = arith.constant 0 : i32
    %dma_start3A_432 = arith.constant 0 : i32
    %dma_start3A_433 = tpu.memref_slice %arg4[%add3A_430, %dma_start3A_431, %dma_start3A_432] : memref<4096x64x128xf32, #tpu.memory_space<hbm>> -> memref<1x64x128xf32, #tpu.memory_space<hbm>>
    %dma_start3A_434 = tpu.memref_squeeze %dma_start3A_433 : memref<1x64x128xf32, #tpu.memory_space<hbm>> -> memref<64x128xf32, #tpu.memory_space<hbm>>
    %dma_start3A_435 = arith.constant 0 : i32
    %dma_start3A_436 = arith.constant 0 : i32
    %dma_start3A_437 = tpu.memref_slice %arg4[%add3A_430, %dma_start3A_435, %dma_start3A_436] : memref<4096x64x128xf32, #tpu.memory_space<hbm>> -> memref<1x64x128xf32, #tpu.memory_space<hbm>>
    %dma_start3A_438 = tpu.memref_squeeze %dma_start3A_437 : memref<1x64x128xf32, #tpu.memory_space<hbm>> -> memref<64x128xf32, #tpu.memory_space<hbm>>
    tpu.enqueue_dma source(%arg11 : memref<64x128xf32, #tpu.memory_space<vmem>>) target(%dma_start3A_438 : memref<64x128xf32, #tpu.memory_space<hbm>>) target_semaphore(%arg27 : memref<!tpu.dma_semaphore, #tpu.memory_space<semaphore_mem>>)
    %mul3A_439 = arith.constant 128 : i32
    %mul3A_440 = arith.muli %add3A, %mul3A_439 : i32
    %add3A_441 = arith.constant 119 : i32
    %add3A_442 = arith.addi %mul3A_440, %add3A_441 : i32
    %dma_wait3A_443 = arith.constant 0 : i32
    %dma_wait3A_444 = arith.constant 0 : i32
    %dma_wait3A_445 = tpu.memref_slice %arg4[%add3A_442, %dma_wait3A_443, %dma_wait3A_444] : memref<4096x64x128xf32, #tpu.memory_space<hbm>> -> memref<1x64x128xf32, #tpu.memory_space<hbm>>
    %dma_wait3A_446 = tpu.memref_squeeze %dma_wait3A_445 : memref<1x64x128xf32, #tpu.memory_space<hbm>> -> memref<64x128xf32, #tpu.memory_space<hbm>>
    %dma_wait3A_447 = arith.constant 0 : i32
    %dma_wait3A_448 = arith.constant 0 : i32
    %dma_wait3A_449 = tpu.memref_slice %arg4[%add3A_442, %dma_wait3A_447, %dma_wait3A_448] : memref<4096x64x128xf32, #tpu.memory_space<hbm>> -> memref<1x64x128xf32, #tpu.memory_space<hbm>>
    %dma_wait3A_450 = tpu.memref_squeeze %dma_wait3A_449 : memref<1x64x128xf32, #tpu.memory_space<hbm>> -> memref<64x128xf32, #tpu.memory_space<hbm>>
    tpu.wait_dma2 semaphore(%arg31 : memref<!tpu.dma_semaphore, #tpu.memory_space<semaphore_mem>>) src(%arg15 : memref<64x128xf32, #tpu.memory_space<vmem>>) dst(%dma_wait3A_450 : memref<64x128xf32, #tpu.memory_space<hbm>>)
    %dma_start3A_451 = arith.constant 127 : i32
    %dma_start3A_452 = arith.constant 0 : i32
    %dma_start3A_453 = tpu.memref_slice %arg5[%dma_start3A_451, %dma_start3A_452] : memref<128x64xi32, #tpu.memory_space<vmem>> -> memref<1x64xi32, #tpu.memory_space<vmem>>
    %dma_start3A_454 = tpu.memref_squeeze %dma_start3A_453 : memref<1x64xi32, #tpu.memory_space<vmem>> -> memref<64xi32, #tpu.memory_space<vmem>>
    %dma_start3A_455 = arith.constant 0 : i32
    %dma_start3A_456 = arith.constant 0 : i32
    %dma_start3A_457 = tpu.memref_slice %arg7[%dma_start3A_455, %dma_start3A_456] : memref<14x128xf32, #tpu.memory_space<vmem_shared>> -> memref<14x128xf32, #tpu.memory_space<vmem_shared>>
    tpu.enqueue_indirect_dma source(%dma_start3A_457 : memref<14x128xf32, #tpu.memory_space<vmem_shared>>) target(%arg15 : memref<64x128xf32, #tpu.memory_space<vmem>>) offsets(%dma_start3A_454 : memref<64xi32, #tpu.memory_space<vmem>>) semaphore(%arg23 : memref<!tpu.dma_semaphore, #tpu.memory_space<semaphore_mem>>)
    %dma_wait3A_458 = arith.constant 124 : i32
    %dma_wait3A_459 = arith.constant 0 : i32
    %dma_wait3A_460 = tpu.memref_slice %arg5[%dma_wait3A_458, %dma_wait3A_459] : memref<128x64xi32, #tpu.memory_space<vmem>> -> memref<1x64xi32, #tpu.memory_space<vmem>>
    %dma_wait3A_461 = tpu.memref_squeeze %dma_wait3A_460 : memref<1x64xi32, #tpu.memory_space<vmem>> -> memref<64xi32, #tpu.memory_space<vmem>>
    %dma_wait3A_462 = arith.constant 0 : i32
    %dma_wait3A_463 = arith.constant 0 : i32
    %dma_wait3A_464 = tpu.memref_slice %arg7[%dma_wait3A_462, %dma_wait3A_463] : memref<14x128xf32, #tpu.memory_space<vmem_shared>> -> memref<14x128xf32, #tpu.memory_space<vmem_shared>>
    tpu.wait_indirect_dma semaphore(%arg20 : memref<!tpu.dma_semaphore, #tpu.memory_space<semaphore_mem>>) src(%dma_wait3A_464 : memref<14x128xf32, #tpu.memory_space<vmem_shared>>) dst(%arg12 : memref<64x128xf32, #tpu.memory_space<vmem>>)
    %mul3A_465 = arith.constant 128 : i32
    %mul3A_466 = arith.muli %add3A, %mul3A_465 : i32
    %add3A_467 = arith.constant 124 : i32
    %add3A_468 = arith.addi %mul3A_466, %add3A_467 : i32
    %dma_start3A_469 = arith.constant 0 : i32
    %dma_start3A_470 = arith.constant 0 : i32
    %dma_start3A_471 = tpu.memref_slice %arg4[%add3A_468, %dma_start3A_469, %dma_start3A_470] : memref<4096x64x128xf32, #tpu.memory_space<hbm>> -> memref<1x64x128xf32, #tpu.memory_space<hbm>>
    %dma_start3A_472 = tpu.memref_squeeze %dma_start3A_471 : memref<1x64x128xf32, #tpu.memory_space<hbm>> -> memref<64x128xf32, #tpu.memory_space<hbm>>
    %dma_start3A_473 = arith.constant 0 : i32
    %dma_start3A_474 = arith.constant 0 : i32
    %dma_start3A_475 = tpu.memref_slice %arg4[%add3A_468, %dma_start3A_473, %dma_start3A_474] : memref<4096x64x128xf32, #tpu.memory_space<hbm>> -> memref<1x64x128xf32, #tpu.memory_space<hbm>>
    %dma_start3A_476 = tpu.memref_squeeze %dma_start3A_475 : memref<1x64x128xf32, #tpu.memory_space<hbm>> -> memref<64x128xf32, #tpu.memory_space<hbm>>
    tpu.enqueue_dma source(%arg12 : memref<64x128xf32, #tpu.memory_space<vmem>>) target(%dma_start3A_476 : memref<64x128xf32, #tpu.memory_space<hbm>>) target_semaphore(%arg28 : memref<!tpu.dma_semaphore, #tpu.memory_space<semaphore_mem>>)
    %mul3A_477 = arith.constant 128 : i32
    %mul3A_478 = arith.muli %add3A, %mul3A_477 : i32
    %add3A_479 = arith.constant 120 : i32
    %add3A_480 = arith.addi %mul3A_478, %add3A_479 : i32
    %dma_wait3A_481 = arith.constant 0 : i32
    %dma_wait3A_482 = arith.constant 0 : i32
    %dma_wait3A_483 = tpu.memref_slice %arg4[%add3A_480, %dma_wait3A_481, %dma_wait3A_482] : memref<4096x64x128xf32, #tpu.memory_space<hbm>> -> memref<1x64x128xf32, #tpu.memory_space<hbm>>
    %dma_wait3A_484 = tpu.memref_squeeze %dma_wait3A_483 : memref<1x64x128xf32, #tpu.memory_space<hbm>> -> memref<64x128xf32, #tpu.memory_space<hbm>>
    %dma_wait3A_485 = arith.constant 0 : i32
    %dma_wait3A_486 = arith.constant 0 : i32
    %dma_wait3A_487 = tpu.memref_slice %arg4[%add3A_480, %dma_wait3A_485, %dma_wait3A_486] : memref<4096x64x128xf32, #tpu.memory_space<hbm>> -> memref<1x64x128xf32, #tpu.memory_space<hbm>>
    %dma_wait3A_488 = tpu.memref_squeeze %dma_wait3A_487 : memref<1x64x128xf32, #tpu.memory_space<hbm>> -> memref<64x128xf32, #tpu.memory_space<hbm>>
    tpu.wait_dma2 semaphore(%arg24 : memref<!tpu.dma_semaphore, #tpu.memory_space<semaphore_mem>>) src(%arg8 : memref<64x128xf32, #tpu.memory_space<vmem>>) dst(%dma_wait3A_488 : memref<64x128xf32, #tpu.memory_space<hbm>>)
    %dma_wait3A_489 = arith.constant 125 : i32
    %dma_wait3A_490 = arith.constant 0 : i32
    %dma_wait3A_491 = tpu.memref_slice %arg5[%dma_wait3A_489, %dma_wait3A_490] : memref<128x64xi32, #tpu.memory_space<vmem>> -> memref<1x64xi32, #tpu.memory_space<vmem>>
    %dma_wait3A_492 = tpu.memref_squeeze %dma_wait3A_491 : memref<1x64xi32, #tpu.memory_space<vmem>> -> memref<64xi32, #tpu.memory_space<vmem>>
    %dma_wait3A_493 = arith.constant 0 : i32
    %dma_wait3A_494 = arith.constant 0 : i32
    %dma_wait3A_495 = tpu.memref_slice %arg7[%dma_wait3A_493, %dma_wait3A_494] : memref<14x128xf32, #tpu.memory_space<vmem_shared>> -> memref<14x128xf32, #tpu.memory_space<vmem_shared>>
    tpu.wait_indirect_dma semaphore(%arg21 : memref<!tpu.dma_semaphore, #tpu.memory_space<semaphore_mem>>) src(%dma_wait3A_495 : memref<14x128xf32, #tpu.memory_space<vmem_shared>>) dst(%arg13 : memref<64x128xf32, #tpu.memory_space<vmem>>)
    %mul3A_496 = arith.constant 128 : i32
    %mul3A_497 = arith.muli %add3A, %mul3A_496 : i32
    %add3A_498 = arith.constant 125 : i32
    %add3A_499 = arith.addi %mul3A_497, %add3A_498 : i32
    %dma_start3A_500 = arith.constant 0 : i32
    %dma_start3A_501 = arith.constant 0 : i32
    %dma_start3A_502 = tpu.memref_slice %arg4[%add3A_499, %dma_start3A_500, %dma_start3A_501] : memref<4096x64x128xf32, #tpu.memory_space<hbm>> -> memref<1x64x128xf32, #tpu.memory_space<hbm>>
    %dma_start3A_503 = tpu.memref_squeeze %dma_start3A_502 : memref<1x64x128xf32, #tpu.memory_space<hbm>> -> memref<64x128xf32, #tpu.memory_space<hbm>>
    %dma_start3A_504 = arith.constant 0 : i32
    %dma_start3A_505 = arith.constant 0 : i32
    %dma_start3A_506 = tpu.memref_slice %arg4[%add3A_499, %dma_start3A_504, %dma_start3A_505] : memref<4096x64x128xf32, #tpu.memory_space<hbm>> -> memref<1x64x128xf32, #tpu.memory_space<hbm>>
    %dma_start3A_507 = tpu.memref_squeeze %dma_start3A_506 : memref<1x64x128xf32, #tpu.memory_space<hbm>> -> memref<64x128xf32, #tpu.memory_space<hbm>>
    tpu.enqueue_dma source(%arg13 : memref<64x128xf32, #tpu.memory_space<vmem>>) target(%dma_start3A_507 : memref<64x128xf32, #tpu.memory_space<hbm>>) target_semaphore(%arg29 : memref<!tpu.dma_semaphore, #tpu.memory_space<semaphore_mem>>)
    %mul3A_508 = arith.constant 128 : i32
    %mul3A_509 = arith.muli %add3A, %mul3A_508 : i32
    %add3A_510 = arith.constant 121 : i32
    %add3A_511 = arith.addi %mul3A_509, %add3A_510 : i32
    %dma_wait3A_512 = arith.constant 0 : i32
    %dma_wait3A_513 = arith.constant 0 : i32
    %dma_wait3A_514 = tpu.memref_slice %arg4[%add3A_511, %dma_wait3A_512, %dma_wait3A_513] : memref<4096x64x128xf32, #tpu.memory_space<hbm>> -> memref<1x64x128xf32, #tpu.memory_space<hbm>>
    %dma_wait3A_515 = tpu.memref_squeeze %dma_wait3A_514 : memref<1x64x128xf32, #tpu.memory_space<hbm>> -> memref<64x128xf32, #tpu.memory_space<hbm>>
    %dma_wait3A_516 = arith.constant 0 : i32
    %dma_wait3A_517 = arith.constant 0 : i32
    %dma_wait3A_518 = tpu.memref_slice %arg4[%add3A_511, %dma_wait3A_516, %dma_wait3A_517] : memref<4096x64x128xf32, #tpu.memory_space<hbm>> -> memref<1x64x128xf32, #tpu.memory_space<hbm>>
    %dma_wait3A_519 = tpu.memref_squeeze %dma_wait3A_518 : memref<1x64x128xf32, #tpu.memory_space<hbm>> -> memref<64x128xf32, #tpu.memory_space<hbm>>
    tpu.wait_dma2 semaphore(%arg25 : memref<!tpu.dma_semaphore, #tpu.memory_space<semaphore_mem>>) src(%arg9 : memref<64x128xf32, #tpu.memory_space<vmem>>) dst(%dma_wait3A_519 : memref<64x128xf32, #tpu.memory_space<hbm>>)
    %dma_wait3A_520 = arith.constant 126 : i32
    %dma_wait3A_521 = arith.constant 0 : i32
    %dma_wait3A_522 = tpu.memref_slice %arg5[%dma_wait3A_520, %dma_wait3A_521] : memref<128x64xi32, #tpu.memory_space<vmem>> -> memref<1x64xi32, #tpu.memory_space<vmem>>
    %dma_wait3A_523 = tpu.memref_squeeze %dma_wait3A_522 : memref<1x64xi32, #tpu.memory_space<vmem>> -> memref<64xi32, #tpu.memory_space<vmem>>
    %dma_wait3A_524 = arith.constant 0 : i32
    %dma_wait3A_525 = arith.constant 0 : i32
    %dma_wait3A_526 = tpu.memref_slice %arg7[%dma_wait3A_524, %dma_wait3A_525] : memref<14x128xf32, #tpu.memory_space<vmem_shared>> -> memref<14x128xf32, #tpu.memory_space<vmem_shared>>
    tpu.wait_indirect_dma semaphore(%arg22 : memref<!tpu.dma_semaphore, #tpu.memory_space<semaphore_mem>>) src(%dma_wait3A_526 : memref<14x128xf32, #tpu.memory_space<vmem_shared>>) dst(%arg14 : memref<64x128xf32, #tpu.memory_space<vmem>>)
    %mul3A_527 = arith.constant 128 : i32
    %mul3A_528 = arith.muli %add3A, %mul3A_527 : i32
    %add3A_529 = arith.constant 126 : i32
    %add3A_530 = arith.addi %mul3A_528, %add3A_529 : i32
    %dma_start3A_531 = arith.constant 0 : i32
    %dma_start3A_532 = arith.constant 0 : i32
    %dma_start3A_533 = tpu.memref_slice %arg4[%add3A_530, %dma_start3A_531, %dma_start3A_532] : memref<4096x64x128xf32, #tpu.memory_space<hbm>> -> memref<1x64x128xf32, #tpu.memory_space<hbm>>
    %dma_start3A_534 = tpu.memref_squeeze %dma_start3A_533 : memref<1x64x128xf32, #tpu.memory_space<hbm>> -> memref<64x128xf32, #tpu.memory_space<hbm>>
    %dma_start3A_535 = arith.constant 0 : i32
    %dma_start3A_536 = arith.constant 0 : i32
    %dma_start3A_537 = tpu.memref_slice %arg4[%add3A_530, %dma_start3A_535, %dma_start3A_536] : memref<4096x64x128xf32, #tpu.memory_space<hbm>> -> memref<1x64x128xf32, #tpu.memory_space<hbm>>
    %dma_start3A_538 = tpu.memref_squeeze %dma_start3A_537 : memref<1x64x128xf32, #tpu.memory_space<hbm>> -> memref<64x128xf32, #tpu.memory_space<hbm>>
    tpu.enqueue_dma source(%arg14 : memref<64x128xf32, #tpu.memory_space<vmem>>) target(%dma_start3A_538 : memref<64x128xf32, #tpu.memory_space<hbm>>) target_semaphore(%arg30 : memref<!tpu.dma_semaphore, #tpu.memory_space<semaphore_mem>>)
    %mul3A_539 = arith.constant 128 : i32
    %mul3A_540 = arith.muli %add3A, %mul3A_539 : i32
    %add3A_541 = arith.constant 122 : i32
    %add3A_542 = arith.addi %mul3A_540, %add3A_541 : i32
    %dma_wait3A_543 = arith.constant 0 : i32
    %dma_wait3A_544 = arith.constant 0 : i32
    %dma_wait3A_545 = tpu.memref_slice %arg4[%add3A_542, %dma_wait3A_543, %dma_wait3A_544] : memref<4096x64x128xf32, #tpu.memory_space<hbm>> -> memref<1x64x128xf32, #tpu.memory_space<hbm>>
    %dma_wait3A_546 = tpu.memref_squeeze %dma_wait3A_545 : memref<1x64x128xf32, #tpu.memory_space<hbm>> -> memref<64x128xf32, #tpu.memory_space<hbm>>
    %dma_wait3A_547 = arith.constant 0 : i32
    %dma_wait3A_548 = arith.constant 0 : i32
    %dma_wait3A_549 = tpu.memref_slice %arg4[%add3A_542, %dma_wait3A_547, %dma_wait3A_548] : memref<4096x64x128xf32, #tpu.memory_space<hbm>> -> memref<1x64x128xf32, #tpu.memory_space<hbm>>
    %dma_wait3A_550 = tpu.memref_squeeze %dma_wait3A_549 : memref<1x64x128xf32, #tpu.memory_space<hbm>> -> memref<64x128xf32, #tpu.memory_space<hbm>>
    tpu.wait_dma2 semaphore(%arg26 : memref<!tpu.dma_semaphore, #tpu.memory_space<semaphore_mem>>) src(%arg10 : memref<64x128xf32, #tpu.memory_space<vmem>>) dst(%dma_wait3A_550 : memref<64x128xf32, #tpu.memory_space<hbm>>)
    %dma_wait3A_551 = arith.constant 127 : i32
    %dma_wait3A_552 = arith.constant 0 : i32
    %dma_wait3A_553 = tpu.memref_slice %arg5[%dma_wait3A_551, %dma_wait3A_552] : memref<128x64xi32, #tpu.memory_space<vmem>> -> memref<1x64xi32, #tpu.memory_space<vmem>>
    %dma_wait3A_554 = tpu.memref_squeeze %dma_wait3A_553 : memref<1x64xi32, #tpu.memory_space<vmem>> -> memref<64xi32, #tpu.memory_space<vmem>>
    %dma_wait3A_555 = arith.constant 0 : i32
    %dma_wait3A_556 = arith.constant 0 : i32
    %dma_wait3A_557 = tpu.memref_slice %arg7[%dma_wait3A_555, %dma_wait3A_556] : memref<14x128xf32, #tpu.memory_space<vmem_shared>> -> memref<14x128xf32, #tpu.memory_space<vmem_shared>>
    tpu.wait_indirect_dma semaphore(%arg23 : memref<!tpu.dma_semaphore, #tpu.memory_space<semaphore_mem>>) src(%dma_wait3A_557 : memref<14x128xf32, #tpu.memory_space<vmem_shared>>) dst(%arg15 : memref<64x128xf32, #tpu.memory_space<vmem>>)
    %mul3A_558 = arith.constant 128 : i32
    %mul3A_559 = arith.muli %add3A, %mul3A_558 : i32
    %add3A_560 = arith.constant 127 : i32
    %add3A_561 = arith.addi %mul3A_559, %add3A_560 : i32
    %dma_start3A_562 = arith.constant 0 : i32
    %dma_start3A_563 = arith.constant 0 : i32
    %dma_start3A_564 = tpu.memref_slice %arg4[%add3A_561, %dma_start3A_562, %dma_start3A_563] : memref<4096x64x128xf32, #tpu.memory_space<hbm>> -> memref<1x64x128xf32, #tpu.memory_space<hbm>>
    %dma_start3A_565 = tpu.memref_squeeze %dma_start3A_564 : memref<1x64x128xf32, #tpu.memory_space<hbm>> -> memref<64x128xf32, #tpu.memory_space<hbm>>
    %dma_start3A_566 = arith.constant 0 : i32
    %dma_start3A_567 = arith.constant 0 : i32
    %dma_start3A_568 = tpu.memref_slice %arg4[%add3A_561, %dma_start3A_566, %dma_start3A_567] : memref<4096x64x128xf32, #tpu.memory_space<hbm>> -> memref<1x64x128xf32, #tpu.memory_space<hbm>>
    %dma_start3A_569 = tpu.memref_squeeze %dma_start3A_568 : memref<1x64x128xf32, #tpu.memory_space<hbm>> -> memref<64x128xf32, #tpu.memory_space<hbm>>
    tpu.enqueue_dma source(%arg15 : memref<64x128xf32, #tpu.memory_space<vmem>>) target(%dma_start3A_569 : memref<64x128xf32, #tpu.memory_space<hbm>>) target_semaphore(%arg31 : memref<!tpu.dma_semaphore, #tpu.memory_space<semaphore_mem>>)
    %mul3A_570 = arith.constant 128 : i32
    %mul3A_571 = arith.muli %add3A, %mul3A_570 : i32
    %add3A_572 = arith.constant 123 : i32
    %add3A_573 = arith.addi %mul3A_571, %add3A_572 : i32
    %dma_wait3A_574 = arith.constant 0 : i32
    %dma_wait3A_575 = arith.constant 0 : i32
    %dma_wait3A_576 = tpu.memref_slice %arg4[%add3A_573, %dma_wait3A_574, %dma_wait3A_575] : memref<4096x64x128xf32, #tpu.memory_space<hbm>> -> memref<1x64x128xf32, #tpu.memory_space<hbm>>
    %dma_wait3A_577 = tpu.memref_squeeze %dma_wait3A_576 : memref<1x64x128xf32, #tpu.memory_space<hbm>> -> memref<64x128xf32, #tpu.memory_space<hbm>>
    %dma_wait3A_578 = arith.constant 0 : i32
    %dma_wait3A_579 = arith.constant 0 : i32
    %dma_wait3A_580 = tpu.memref_slice %arg4[%add3A_573, %dma_wait3A_578, %dma_wait3A_579] : memref<4096x64x128xf32, #tpu.memory_space<hbm>> -> memref<1x64x128xf32, #tpu.memory_space<hbm>>
    %dma_wait3A_581 = tpu.memref_squeeze %dma_wait3A_580 : memref<1x64x128xf32, #tpu.memory_space<hbm>> -> memref<64x128xf32, #tpu.memory_space<hbm>>
    tpu.wait_dma2 semaphore(%arg27 : memref<!tpu.dma_semaphore, #tpu.memory_space<semaphore_mem>>) src(%arg11 : memref<64x128xf32, #tpu.memory_space<vmem>>) dst(%dma_wait3A_581 : memref<64x128xf32, #tpu.memory_space<hbm>>)
    %mul3A_582 = arith.constant 128 : i32
    %mul3A_583 = arith.muli %add3A, %mul3A_582 : i32
    %add3A_584 = arith.constant 124 : i32
    %add3A_585 = arith.addi %mul3A_583, %add3A_584 : i32
    %dma_wait3A_586 = arith.constant 0 : i32
    %dma_wait3A_587 = arith.constant 0 : i32
    %dma_wait3A_588 = tpu.memref_slice %arg4[%add3A_585, %dma_wait3A_586, %dma_wait3A_587] : memref<4096x64x128xf32, #tpu.memory_space<hbm>> -> memref<1x64x128xf32, #tpu.memory_space<hbm>>
    %dma_wait3A_589 = tpu.memref_squeeze %dma_wait3A_588 : memref<1x64x128xf32, #tpu.memory_space<hbm>> -> memref<64x128xf32, #tpu.memory_space<hbm>>
    %dma_wait3A_590 = arith.constant 0 : i32
    %dma_wait3A_591 = arith.constant 0 : i32
    %dma_wait3A_592 = tpu.memref_slice %arg4[%add3A_585, %dma_wait3A_590, %dma_wait3A_591] : memref<4096x64x128xf32, #tpu.memory_space<hbm>> -> memref<1x64x128xf32, #tpu.memory_space<hbm>>
    %dma_wait3A_593 = tpu.memref_squeeze %dma_wait3A_592 : memref<1x64x128xf32, #tpu.memory_space<hbm>> -> memref<64x128xf32, #tpu.memory_space<hbm>>
    tpu.wait_dma2 semaphore(%arg28 : memref<!tpu.dma_semaphore, #tpu.memory_space<semaphore_mem>>) src(%arg12 : memref<64x128xf32, #tpu.memory_space<vmem>>) dst(%dma_wait3A_593 : memref<64x128xf32, #tpu.memory_space<hbm>>)
    %mul3A_594 = arith.constant 128 : i32
    %mul3A_595 = arith.muli %add3A, %mul3A_594 : i32
    %add3A_596 = arith.constant 125 : i32
    %add3A_597 = arith.addi %mul3A_595, %add3A_596 : i32
    %dma_wait3A_598 = arith.constant 0 : i32
    %dma_wait3A_599 = arith.constant 0 : i32
    %dma_wait3A_600 = tpu.memref_slice %arg4[%add3A_597, %dma_wait3A_598, %dma_wait3A_599] : memref<4096x64x128xf32, #tpu.memory_space<hbm>> -> memref<1x64x128xf32, #tpu.memory_space<hbm>>
    %dma_wait3A_601 = tpu.memref_squeeze %dma_wait3A_600 : memref<1x64x128xf32, #tpu.memory_space<hbm>> -> memref<64x128xf32, #tpu.memory_space<hbm>>
    %dma_wait3A_602 = arith.constant 0 : i32
    %dma_wait3A_603 = arith.constant 0 : i32
    %dma_wait3A_604 = tpu.memref_slice %arg4[%add3A_597, %dma_wait3A_602, %dma_wait3A_603] : memref<4096x64x128xf32, #tpu.memory_space<hbm>> -> memref<1x64x128xf32, #tpu.memory_space<hbm>>
    %dma_wait3A_605 = tpu.memref_squeeze %dma_wait3A_604 : memref<1x64x128xf32, #tpu.memory_space<hbm>> -> memref<64x128xf32, #tpu.memory_space<hbm>>
    tpu.wait_dma2 semaphore(%arg29 : memref<!tpu.dma_semaphore, #tpu.memory_space<semaphore_mem>>) src(%arg13 : memref<64x128xf32, #tpu.memory_space<vmem>>) dst(%dma_wait3A_605 : memref<64x128xf32, #tpu.memory_space<hbm>>)
    %mul3A_606 = arith.constant 128 : i32
    %mul3A_607 = arith.muli %add3A, %mul3A_606 : i32
    %add3A_608 = arith.constant 126 : i32
    %add3A_609 = arith.addi %mul3A_607, %add3A_608 : i32
    %dma_wait3A_610 = arith.constant 0 : i32
    %dma_wait3A_611 = arith.constant 0 : i32
    %dma_wait3A_612 = tpu.memref_slice %arg4[%add3A_609, %dma_wait3A_610, %dma_wait3A_611] : memref<4096x64x128xf32, #tpu.memory_space<hbm>> -> memref<1x64x128xf32, #tpu.memory_space<hbm>>
    %dma_wait3A_613 = tpu.memref_squeeze %dma_wait3A_612 : memref<1x64x128xf32, #tpu.memory_space<hbm>> -> memref<64x128xf32, #tpu.memory_space<hbm>>
    %dma_wait3A_614 = arith.constant 0 : i32
    %dma_wait3A_615 = arith.constant 0 : i32
    %dma_wait3A_616 = tpu.memref_slice %arg4[%add3A_609, %dma_wait3A_614, %dma_wait3A_615] : memref<4096x64x128xf32, #tpu.memory_space<hbm>> -> memref<1x64x128xf32, #tpu.memory_space<hbm>>
    %dma_wait3A_617 = tpu.memref_squeeze %dma_wait3A_616 : memref<1x64x128xf32, #tpu.memory_space<hbm>> -> memref<64x128xf32, #tpu.memory_space<hbm>>
    tpu.wait_dma2 semaphore(%arg30 : memref<!tpu.dma_semaphore, #tpu.memory_space<semaphore_mem>>) src(%arg14 : memref<64x128xf32, #tpu.memory_space<vmem>>) dst(%dma_wait3A_617 : memref<64x128xf32, #tpu.memory_space<hbm>>)
    %mul3A_618 = arith.constant 128 : i32
    %mul3A_619 = arith.muli %add3A, %mul3A_618 : i32
    %add3A_620 = arith.constant 127 : i32
    %add3A_621 = arith.addi %mul3A_619, %add3A_620 : i32
    %dma_wait3A_622 = arith.constant 0 : i32
    %dma_wait3A_623 = arith.constant 0 : i32
    %dma_wait3A_624 = tpu.memref_slice %arg4[%add3A_621, %dma_wait3A_622, %dma_wait3A_623] : memref<4096x64x128xf32, #tpu.memory_space<hbm>> -> memref<1x64x128xf32, #tpu.memory_space<hbm>>
    %dma_wait3A_625 = tpu.memref_squeeze %dma_wait3A_624 : memref<1x64x128xf32, #tpu.memory_space<hbm>> -> memref<64x128xf32, #tpu.memory_space<hbm>>
    %dma_wait3A_626 = arith.constant 0 : i32
    %dma_wait3A_627 = arith.constant 0 : i32
    %dma_wait3A_628 = tpu.memref_slice %arg4[%add3A_621, %dma_wait3A_626, %dma_wait3A_627] : memref<4096x64x128xf32, #tpu.memory_space<hbm>> -> memref<1x64x128xf32, #tpu.memory_space<hbm>>
    %dma_wait3A_629 = tpu.memref_squeeze %dma_wait3A_628 : memref<1x64x128xf32, #tpu.memory_space<hbm>> -> memref<64x128xf32, #tpu.memory_space<hbm>>
    tpu.wait_dma2 semaphore(%arg31 : memref<!tpu.dma_semaphore, #tpu.memory_space<semaphore_mem>>) src(%arg15 : memref<64x128xf32, #tpu.memory_space<vmem>>) dst(%dma_wait3A_629 : memref<64x128xf32, #tpu.memory_space<hbm>>)
    return
  }
}

</mosaic_0001>

<sc_bundles>
// kernel: kernel.3.cloned.1.call-start
scs
__scs_entry_jumppad:
0x0: {  	(pc) =	sbr.rel $0x88, $3  }
0x1: {  	(tag) =	ssettag $0x0;
	lr =	simm.s32 $0x1  }
0x2: {  	[smem:$0x3F9F] =	sst lr;
	_ =	strace $0xD0000000  }
0x3: {  	_ = 	snop  }
0x4: {  	_ = 	snop  }
0x5: {  	_ = 	snop  }
0x6: {  	_ = 	snop  }
0x7: {  	_ = 	snop  }
__scs_overlays_trampoline_lowered:
0x8: {  	[smem:$0x3FAE] =	sst s0  }
0x9: {  	[smem:$0x3FAF] =	sst s1  }
0xa: {  	[smem:$0x3FB0] =	sst s2  }
0xb: {  	[smem:$0x3FB1] =	sst s3  }
0xc: {  	[smem:$0x3FB2] =	sst s4  }
0xd: {  	[smem:$0x3FB3] =	sst s5  }
0xe: {  	[smem:$0x3FB4] =	sst s6  }
0xf: {  	[smem:$0x3FB5] =	sst s7  }
0x10: {  	[smem:$0x3FB6] =	sst s8  }
0x11: {  	[smem:$0x3FB7] =	sst s9;
	s0 =	simm.s32 @!p0 $0x0  }
0x12: {  	s1 =	sld [smem:$0x3F9D];
	s0 =	simm.s32 @p0 $0x1  }
0x13: {  	[smem:$0x3FB8] =	sst s0;
	s0 =	simm.s32 @!p1 $0x0  }
0x14: {  	s2 =	sld [smem:$0x3F9C];
	s0 =	simm.s32 @p1 $0x1  }
0x15: {  	[smem:$0x3FB9] =	sst s0;
	s0 =	simm.s32 @!p2 $0x0  }
0x16: {  	s3 =	sld [smem:$0x3FDB];
	s0 =	simm.s32 @p2 $0x1  }
0x17: {  	s4 =	simm.s32 $0x1BF5;
	[smem:$0x3FBB] =	sst s0  }
0x18: {  	s0 =	sld [smem:$0x3F9E];
	_ =	swait.ge [sflag:s4], $0x0  }
0x19: {  	s7 =	sld [smem:$0x3F9F]  }
0x1a: {  	s8 =	sadd.s32 $0xFFFFE003, lr  }
0x1b: {  	s9 =	sadd.s32 $0xFFFFFEF7, lr;
	s5 =	simm.s32 $0xFFFFFFFF;
	p2 =	slt.u32 s8, $0xFFFFF086  }
0x1c: {  	p1 =	slt.u32 s9, $0xF7A;
	s5 =	simm.s32 @!p2 $0x0  }
0x1d: {  	s5 =	simm.s32 @p1 $0x1;
	p0 =	seq.s32 s7, s2  }
0x1e: {  	s7 =	smul.u32 @!p0 $0xF7A, s2;
	p2 =	seq.s32 @!p0 s5, $0x0  }
0x1f: {  	s9 =	smul.u32 $0xF7A, s1;
	s8 =	simm.s32 @!p0 $0x1BF5;
	p2 =	por !p2, p0  }
0x20: {  	[sflag:s8] =	ssyncset.s32 @!p0 $0xFFFFF086;
	s6 =	sadd.s32 @!p0 s3, s7;
	s7 =	simm.s32 @!p0 $0x108  }
0x21: {  	s3 =	sadd.s32 s3, s9;
	s6 =	sadd.s32 @!p0 $0x88, s6;
	s7 =	simm.s32 @p2 $0x1082  }
0x22: {  	[simem:s7], [sflag:s8] =	dma.local @!p0 [hbm:s6], $0xF7A  }
0x23: {  	s9 =	sor.u32 $0xD0000000, s2;
	s6 =	simm.s32 $0x108;
	_ =	swait.ge @!p0 [sflag:s8], $0x0  }
0x24: {  	s3 =	sadd.s32 $0x88, s3;
	s6 =	simm.s32 @!p1 $0x1082;
	[sflag:s4] =	ssyncset.s32 $0xFFFFF086  }
0x25: {  	[simem:s6], [sflag:s4] =	dma.local [hbm:s3], $0xF7A  }
0x26: {  	[smem:$0x3F9F] =	sst s1;
	(tag) =	ssettag s2;
	_ =	strace s9  }
0x27: {  	s1 =	sld [smem:$0x3FAF]  }
0x28: {  	s2 =	sld [smem:$0x3FB0]  }
0x29: {  	s4 =	sld [smem:$0x3FB2]  }
0x2a: {  	p0 =	seq.s32 s5, $0x0;
	s5 =	sld [smem:$0x3FB3]  }
0x2b: {  	s6 =	sld [smem:$0x3FB4]  }
0x2c: {  	s7 =	sld [smem:$0x3FB5]  }
0x2d: {  	s3 =	simm.s32 $0x108;
	s8 =	sld [smem:$0x3FB6]  }
0x2e: {  	s3 =	simm.s32 @!p0 $0x1082;
	s9 =	sld [smem:$0x3FB7]  }
0x2f: {  	lr =	sadd.s32 s0, s3;
	s0 =	sld [smem:$0x3FAE]  }
0x30: {  	s3 =	sld [smem:$0x3FB1]  }
0x31: {  	[smem:$0x3FBA] =	sst s10  }
0x32: {  	s10 =	sld [smem:$0x3FB8];
	_ =	sdelay $0x3  }
0x33: {  	p0 =	seq.s32 s10, $0x1;
	s10 =	sld [smem:$0x3FBA];
	_ =	sdelay $0x3  }
0x34: {  	[smem:$0x3FBA] =	sst s10  }
0x35: {  	s10 =	sld [smem:$0x3FB9];
	_ =	sdelay $0x3  }
0x36: {  	p1 =	seq.s32 s10, $0x1;
	s10 =	sld [smem:$0x3FBA];
	_ =	sdelay $0x3  }
0x37: {  	[smem:$0x3FBA] =	sst s10  }
0x38: {  	s10 =	sld [smem:$0x3FBB]  }
0x39: {  	_ = 	snop;
	(pc) =	sbr.ind lr, $3  }
0x3a: {  	_ = 	snop  }
0x3b: {  	_ = 	snop  }
0x3c: {  	p2 =	seq.s32 s10, $0x1;
	s10 =	sld [smem:$0x3FBA]  }
0x3d: {  	_ =	shalt  }
0x3e: {  	_ =	shalt  }
0x3f: {  	_ =	shalt  }
0x40: {  	_ =	shalt  }
0x41: {  	_ =	shalt  }
0x42: {  	_ =	shalt  }
0x43: {  	_ =	shalt  }
0x44: {  	_ =	shalt  }
0x45: {  	_ =	shalt  }
0x46: {  	_ =	shalt  }
0x47: {  	_ =	shalt  }
0x48: {  	_ =	shalt  }
0x49: {  	_ =	shalt  }
0x4a: {  	_ =	shalt  }
0x4b: {  	_ =	shalt  }
0x4c: {  	_ =	shalt  }
0x4d: {  	_ =	shalt  }
0x4e: {  	_ =	shalt  }
0x4f: {  	_ =	shalt  }
0x50: {  	_ =	shalt  }
0x51: {  	_ =	shalt  }
0x52: {  	_ =	shalt  }
0x53: {  	_ =	shalt  }
0x54: {  	_ =	shalt  }
0x55: {  	_ =	shalt  }
0x56: {  	_ =	shalt  }
0x57: {  	_ =	shalt  }
0x58: {  	_ =	shalt  }
0x59: {  	_ =	shalt  }
0x5a: {  	_ =	shalt  }
0x5b: {  	_ =	shalt  }
0x5c: {  	_ =	shalt  }
0x5d: {  	_ =	shalt  }
0x5e: {  	_ =	shalt  }
0x5f: {  	_ =	shalt  }
0x60: {  	_ =	shalt  }
0x61: {  	_ =	shalt  }
0x62: {  	_ =	shalt  }
0x63: {  	_ =	shalt  }
0x64: {  	_ =	shalt  }
0x65: {  	_ =	shalt  }
0x66: {  	_ =	shalt  }
0x67: {  	_ =	shalt  }
0x68: {  	_ =	shalt  }
0x69: {  	_ =	shalt  }
0x6a: {  	_ =	shalt  }
0x6b: {  	_ =	shalt  }
0x6c: {  	_ =	shalt  }
0x6d: {  	_ =	shalt  }
0x6e: {  	_ =	shalt  }
0x6f: {  	_ =	shalt  }
0x70: {  	_ =	shalt  }
0x71: {  	_ =	shalt  }
0x72: {  	_ =	shalt  }
0x73: {  	_ =	shalt  }
0x74: {  	_ =	shalt  }
0x75: {  	_ =	shalt  }
0x76: {  	_ =	shalt  }
0x77: {  	_ =	shalt  }
0x78: {  	_ =	shalt  }
0x79: {  	_ =	shalt  }
0x7a: {  	_ =	shalt  }
0x7b: {  	_ =	shalt  }
0x7c: {  	_ =	shalt  }
0x7d: {  	_ =	shalt  }
0x7e: {  	_ =	shalt  }
0x7f: {  	_ =	shalt  }
0x80: {  	_ =	shalt  }
0x81: {  	_ =	shalt  }
0x82: {  	_ =	shalt  }
0x83: {  	_ =	shalt  }
0x84: {  	_ =	shalt  }
0x85: {  	_ =	shalt  }
0x86: {  	_ =	shalt  }
0x87: {  	_ =	shalt  }
.Lfunc_end0:
.L_simem_size_0:
called_computation_lowered:
.L_overlay_start_0:
0x88: {  	s2 =	sld [smem:$0x3FD9]  }
0x89: {  	s3 =	sld [smem:$0x3FFE];
	_ =	sdelay $0x1  }
0x8a: {  	s1 =	srdreg.scid  }
0x8b: {  	s0 =	sand.u32 $0x1, s1  }
0x8c: {  	s17 =	sshll.u32 s0, $0xA;
	s2 =	sadd.s32 s3, s2  }
0x8d: {  	s2 =	sadd.s32 s2, s17  }
0x8e: {  	[smem:$0x3FC6] =	sst s2  }
0x8f: {  	_ = 	snop  }
0x90: {  	s2 =	sld [smem:$0x3FC8]  }
0x91: {  	s18 =	sld [smem:$0x3FD0];
	(tm) =	ssettm $0x1  }
0x92: {  	s4 =	sld [smem:$0x3FFB];
	_ =	sdelay $0x3  }
0x93: {  	_ =	strace s4  }
0x94: {  	s4 =	sld [smem:$0x3FFC];
	_ =	sdelay $0x3  }
0x95: {  	_ =	strace s4  }
0x96: {  	s4 =	sld [smem:$0x3FFD];
	_ =	sdelay $0x3  }
0x97: {  	_ =	strace s4  }
0x98: {  	_ =	strace $0x8FFFFFFF  }
0x99: {  	s19 =	sld [smem:$0x3FDB];
	_ =	sdelay $0x1  }
0x9a: {  	s5 =	simm.s32 $_scs_section_size  }
0x9b: {  	s6 =	simm.s32 $_size__tile_overlayer_lowered;
	s7 =	simm.s32 $_tile_overlayer_lowered  }
0x9c: {  	s22 =	simm.s32 $0x1BFF;
	s21 =	sshll.u32 s7, $0x1;
	s4 =	sadd.s32 s5, s19  }
0x9d: {  	s8 =	simm.s32 $0x0;
	s20 =	sshll.u32 s6, $0x1;
	s6 =	sadd.s32 s21, s4  }
0x9e: {  	[timem:s8], [sflag:s22] =	dma.local [hbm:s6], s20  }
0x9f: {  	_ =	swait.ge [sflag:s22], s20  }
0xa0: {  	s5 =	ssub.s32 $0x0, s20;
	[sflag:s22] =	ssyncset.done $0x0  }
0xa1: {  	[sflag:s22] =	ssyncadd.s32 s5;
	_ =	sdelay $0x1  }
0xa2: {  	s23 =	simm.s32 $0x1B8B  }
0xa3: {  	_ =	swait.ge [sflag:s23], $0x1  }
0xa4: {  	[sflag:s23] =	ssyncset.done $0x0  }
0xa5: {  	s25 =	simm.s32 $0x1B8E;
	s24 =	sld [smem:$0x3FFE];
	[sflag:s23] =	ssyncadd.s32 $0xFFFFFFFF  }
0xa6: {  	s26 =	simm.s32 $execute0_lowered;
	[smem:$0x3FD2] =	sst s25  }
0xa7: {  	s6 =	sshll.u32 s26, $0x1;
	_ =	strace $0x80000046;
	[dreg:$0x1] =	wrdreg $0xFFFFFFFF  }
0xa8: {  	s28 =	simm.s32 $_size_execute0_lowered;
	s4 =	sadd.s32 s4, s6;
	[dreg:$0x0] =	wrdreg $0x0  }
0xa9: {  	s6 =	sshll.u32 s28, $0x1;
	[dreg:$0x2] =	wrdreg s4  }
0xaa: {  	[dreg:$0x3] =	wrdreg s6  }
0xab: {  	[dreg:$0x4] =	wrdreg $0xC0  }
0xac: {  	_ =	task [dreg:s8], $0x5FFFF  }
0xad: {  	[dreg:$0x1] =	wrdreg $0xFFFFFFFF  }
0xae: {  	[dreg:$0x0] =	wrdreg $0x60  }
0xaf: {  	[dreg:$0x2] =	wrdreg s2  }
0xb0: {  	[dreg:$0x3] =	wrdreg s24  }
0xb1: {  	[dreg:$0x4] =	wrdreg s18  }
0xb2: {  	[dreg:$0x5] =	wrdreg $0x40800  }
0xb3: {  	[dreg:$0x6] =	wrdreg $0x9  }
0xb4: {  	_ =	task.clear_ibuf [dreg:s8], $0x7FFFF;
	_ =	strace $0x90000046  }
0xb5: {  	s29 =	simm.s32 $0x9;
	_ =	strace $0x80000048  }
0xb6: {  	_ =	swait.ge [sflag:s29], $0x1  }
0xb7: {  	[sflag:s29] =	ssyncadd.s32 $0xFFFFFFFF  }
0xb8: {  	_ =	strace $0x90000048  }
0xb9: {  	_ =	sfence  }
0xba: {  	s30 =	sld [smem:$0x0];
	_ =	sdelay $0x2  }
0xbb: {  	s31 =	sshll.u32 s1, $0xD;
	s1 =	sshrl.u32 s1, $0x2  }
0xbc: {  	s3 =	sand.u32 $0x4000, s31;
	s1 =	sadd.s32 s1, s30  }
0xbd: {  	s0 =	sor.u32 s3, s0;
	s1 =	sshll.u32 s1, $0x11  }
0xbe: {  	s0 =	sor.u32 s1, s0  }
0xbf: {  	s0 =	sadd.s32 $0x8F2B, s0  }
0xc0: {  	[sflag:s0] =	ssyncadd.remote.s32 $0x1  }
0xc1: {  	_ =	sfence.sel $0xFFFF  }
0xc2: {  	[dreg:$0x0] =	wrdreg $0xFFFFFFFF;
	(pc) =	sbr.abs _section_cstart, $3  }
0xc3: {  	[dreg:$0x1] =	wrdreg $0xFFFFFFFF  }
0xc4: {  	_ =	task.clear_ibuf [dreg:s8], $0x2FFFF;
	_ =	strace $0x9FFFFFFF  }
0xc5: {  	(tm) =	ssettm $0x7FFFFFFF  }
tec
execute0_lowered:
.L_overlay_start_1:
0x0: {  	(tag) =	ssettag $0x1  }
0x1: {  	s0 =	rddreg [dreg:$0x0]  }
0x2: {  	s1 =	rddreg [dreg:$0x1]  }
0x3: {  	s9 =	rddreg [dreg:$0x2];
	s2 =	srdreg.scid  }
0x4: {  	s8 =	stileid.u32;
	s3 =	rddreg [dreg:$0x3];
	s2 =	sand.u32 $0x1, s2  }
0x5: {  	s4 =	sshll.u32 s8, $0x1;
	s24 =	sshll.u32 s8, $0x4;
	s25 =	sshll.u32 s8, $0x7  }
0x6: {  	s13 =	sshll.u32 s8, $0x12;
	s5 =	sor.u32 s2, s4;
	s4 =	simm.s32 $0x0  }
0x7: {  	s7 =	ssub.s32 $0x2, s2;
	s0 =	sadd.s32 s0, s24;
	s26 =	sadd.s32 s25, s3  }
0x8: {  	s14 =	sshll.u32 s2, $0x11;
	s6 =	sshll.u32 s5, $0xB;
	[smem:$0x7FF] =	sst s4  }
0x9: {  	s31 =	sor.u32 s14, s13;
	_ =	strace $0x80000047;
	[dreg:$0xa] =	wrdreg s0  }
0xa: {  	s23 =	sshrl.u32 s7, $0x1;
	[dreg:$0xb] =	wrdreg s26;
	s19 =	sor.u32 $0x2800, s31  }
0xb: {  	s1 =	sadd.s32 s6, s1;
	s21 =	sor.u32 $0x3800, s31;
	[dreg:$0x5] =	wrdreg s19  }
0xc: {  	s6 =	ssub.s32 s7, s23;
	s23 =	sor.u32 $0x3000, s31;
	[dreg:$0x6] =	wrdreg s21  }
0xd: {  	s5 =	sshll.u32 s5, $0x11;
	s25 =	sor.u32 $0x2000, s31;
	[dreg:$0x7] =	wrdreg s23  }
0xe: {  	s5 =	sadd.s32 s9, s5;
	[dreg:$0x8] =	wrdreg s25  }
0xf: {  	s1 =	sadd.s32 $0x400, s1;
	[dreg:$0xc] =	wrdreg s5  }
0x10: {  	s28 =	sadd.s32 $0x400, s5;
	[dreg:$0x9] =	wrdreg s1  }
0x11: {  	s7 =	sadd.s32 $0xC00, s5;
	[dreg:$0xd] =	wrdreg s28  }
0x12: {  	s9 =	sadd.s32 $0x1000, s5;
	[dreg:$0xf] =	wrdreg s7  }
0x13: {  	s10 =	sadd.s32 $0x1400, s5;
	[dreg:$0x10] =	wrdreg s9  }
0x14: {  	s30 =	simm.s32 $0x40;
	s11 =	sadd.s32 $0x1800, s5;
	[dreg:$0x11] =	wrdreg s10  }
0x15: {  	s29 =	simm.s32 $0x40F0;
	s12 =	sadd.s32 $0x1C00, s5;
	[dreg:$0x12] =	wrdreg s11  }
0x16: {  	p0 =	sgt.u32 s8, $0xD;
	s15 =	sadd.s32 $0x1E000, s5;
	[dreg:$0x13] =	wrdreg s12  }
0x17: {  	s8 =	simm.s32 $0xF;
	s16 =	sadd.s32 $0x1E400, s5;
	[dreg:$0x14] =	wrdreg s15  }
0x18: {  	s2 =	simm.s32 $0x0;
	s17 =	sadd.s32 $0x1E800, s5;
	[dreg:$0x15] =	wrdreg s16  }
0x19: {  	s13 =	simm.s32 $0x100F0;
	s18 =	sadd.s32 $0x1EC00, s5;
	[dreg:$0x16] =	wrdreg s17  }
0x1a: {  	s14 =	simm.s32 $0x5;
	s20 =	sadd.s32 $0x1F000, s5;
	[dreg:$0x17] =	wrdreg s18  }
0x1b: {  	s22 =	sadd.s32 $0x1F400, s5;
	s24 =	sadd.s32 $0x1F800, s5;
	[dreg:$0x18] =	wrdreg s20  }
0x1c: {  	s26 =	sadd.s32 $0x1FC00, s5;
	s19 =	simm.s32 $0x7;
	[dreg:$0x19] =	wrdreg s22  }
0x1d: {  	s21 =	simm.s32 $0x8;
	s23 =	simm.s32 $0xC;
	[dreg:$0x1a] =	wrdreg s24  }
0x1e: {  	s25 =	simm.s32 $0xE;
	s1 =	sadd.s32 $0x800, s5;
	[dreg:$0x1b] =	wrdreg s26  }
0x1f: {  	s28 =	smax.u32 s6, $0x1;
	s7 =	simm.s32 $0x60F0;
	s26 =	simm.s32 $0xA0F0  }
0x20: {  	s9 =	simm.s32 $0xC0F0;
	s6 =	simm.s32 $0x2;
	s11 =	simm.s32 $0xE0F0  }
0x21: {  	s10 =	simm.s32 $0x3;
	s12 =	simm.s32 $0x4;
	s5 =	simm.s32 $0x120F0  }
0x22: {  	s15 =	simm.s32 $0x9;
	s16 =	simm.s32 $0x6;
	s17 =	simm.s32 $0xA  }
0x23: {  	s20 =	simm.s32 $0xB;
	s22 =	simm.s32 $0xC;
	[dreg:$0xe] =	wrdreg s1  }
0x24: {  	v0 =	vimm.f32 $0.0e+00;
	s24 =	simm.s32 $0xD;
	[dreg:$0x1c] =	wrdreg s28;
	s1 =	simm.s32 $0x80F0  }
.LBB2_1:
.Ltmp0:
0x25: {  	(pc) =	sbr.rel @p0 .LBB2_3-.Ltmp0, $4  }
0x26: {  	_ = 	snop  }
0x27: {  	[dreg:$0x1d] =	wrdreg s2  }
0x28: {  	s28 =	rddreg [dreg:$0x9]  }
0x29: {  	[tilespmem:s4], [sflag:$0x11] =	stream.linear.gather [hbm4b:s28+s4], $0x4000, $0x38;
	[tilespmem:$0x140F0] =	vst v63  }
0x2a: {  	s2 =	rddreg [dreg:$0xa];
	s0 =	simm.s32 $0x4000;
	s18 =	simm.s32 $0x12  }
0x2b: {  	[tilespmem:s0], [sflag:$0x12] =	stream.linear.gather [hbm4b:s2+s4], $0x80, $0x38;
	[tilespmem:$0x140F0] =	vst v63  }
0x2c: {  	_ =	swait.ge [sflag:s18], $0x80  }
0x2d: {  	[sflag:s18] =	ssyncset.done $0x0  }
0x2e: {  	[sflag:s18] =	ssyncadd.s32 $0xFFFFFF80  }
0x2f: {  	v1 =	vld [tilespmem:$0x4000]  }
0x30: {  	v2 =	vld [tilespmem:$0x4010]  }
0x31: {  	v3 =	vld [tilespmem:$0x4020]  }
0x32: {  	v4 =	vld [tilespmem:$0x4030]  }
0x33: {  	v5 =	vld [tilespmem:$0x4040]  }
0x34: {  	v8 =	vld [tilespmem:$0x4050]  }
0x35: {  	v9 =	vld [tilespmem:$0x4060]  }
0x36: {  	v59 =	vld [tilespmem:$0x4070];
	vm0 =	vlt.f32 v1, $1.000000000e+09;
	vm1 =	vgt.f32 v1, $1.000000000e+09;
	vm14 =	vlt.f32 v2, $1.000000000e+09  }
0x37: {  	vm2 =	vgt.f32 v2, $1.000000000e+09;
	vm4 =	vlt.f32 v3, $1.000000000e+09;
	vm5 =	vgt.f32 v3, $1.000000000e+09  }
0x38: {  	vm6 =	vlt.f32 v4, $1.000000000e+09;
	vm7 =	vgt.f32 v4, $1.000000000e+09;
	vm8 =	vlt.f32 v5, $1.000000000e+09  }
0x39: {  	vm9 =	vgt.f32 v5, $1.000000000e+09;
	vm10 =	vlt.f32 v8, $1.000000000e+09;
	vm11 =	vgt.f32 v8, $1.000000000e+09  }
0x3a: {  	vm12 =	vlt.f32 v9, $1.000000000e+09;
	vm13 =	vgt.f32 v9, $1.000000000e+09;
	vm0 =	vmor vm1, vm0  }
0x3b: {  	vm15 =	vmor vm2, vm14;
	vm14 =	vlt.f32 v59, $1.000000000e+09;
	v6 =	vsel vm0, $0x3F800000, v0  }
0x3c: {  	v7 =	vsel vm15, $0x3F800000, v0;
	vm0 =	vmor vm5, vm4;
	vm15 =	vgt.f32 v59, $1.000000000e+09  }
0x3d: {  	v6 =	vmax.f32 v6, v7;
	v58 =	vsel vm0, $0x3F800000, v0;
	vm0 =	vmor vm7, vm6  }
0x3e: {  	v6 =	vmax.f32 v6, v58;
	v10 =	vsel vm0, $0x3F800000, v0;
	vm0 =	vmor vm9, vm8  }
0x3f: {  	v6 =	vmax.f32 v6, v10;
	v60 =	vsel vm0, $0x3F800000, v0;
	vm0 =	vmor vm11, vm10  }
0x40: {  	v6 =	vmax.f32 v6, v60;
	v61 =	vsel vm0, $0x3F800000, v0;
	vm0 =	vmor vm13, vm12  }
0x41: {  	vm1 =	vmor vm15, vm14;
	v6 =	vmax.f32 v6, v61;
	v62 =	vsel vm0, $0x3F800000, v0  }
0x42: {  	v63 =	vsel vm1, $0x3F800000, v0;
	v6 =	vmax.f32 v6, v62  }
0x43: {  	v6 =	vmax.f32 v6, v63  }
0x44: {  	(xrf0) =	vmax.scan.msk.f32 $0xffff, v6;
	_ =	sdelay $0x5  }
0x45: {  	v6, _, _ =	vpop (xrf0)  }
0x46: {  	v6 =	vbroadcast v6, $0xF;
	_ =	sdelay $0x1  }
0x47: {  	v1 =	vmul.f32 v6, v1  }
0x48: {  	v2 =	vmul.f32 v6, v2  }
0x49: {  	[tilespmem:$0x4000] =	vst v1;
	v1 =	vmul.f32 v6, v3  }
0x4a: {  	[tilespmem:$0x4010] =	vst v2;
	v2 =	vmul.f32 v6, v4  }
0x4b: {  	[tilespmem:$0x4020] =	vst v1;
	v1 =	vmul.f32 v6, v5  }
0x4c: {  	[tilespmem:$0x4030] =	vst v2;
	v2 =	vmul.f32 v6, v8  }
0x4d: {  	[tilespmem:$0x4040] =	vst v1;
	v1 =	vmul.f32 v6, v9  }
0x4e: {  	[tilespmem:$0x4050] =	vst v2;
	v2 =	vmul.f32 v6, v59  }
0x4f: {  	[tilespmem:$0x4060] =	vst v1  }
0x50: {  	s28 =	rddreg [dreg:$0xb];
	[tilespmem:$0x4070] =	vst v2  }
0x51: {  	[spmem:s28] =	stream.linear.scatter [tilespmem:s0], [sflag:$0x12], $0x80, $0x38;
	[tilespmem:$0x140F0] =	vst v63  }
0x52: {  	_ =	swait.ge [sflag:s18], $0x80  }
0x53: {  	[sflag:s18] =	ssyncset.done $0x0  }
0x54: {  	[sflag:s18] =	ssyncadd.s32 $0xFFFFFF80  }
.LBB2_3:
0x55: {  	[bflag:$0x0] =	sbarrier.arrive $0xFFFF;
	s0 =	simm.s32 $0x11  }
0x56: {  	_ =	swait.ge [sflag:s0], $0x4000  }
0x57: {  	[sflag:s0] =	ssyncset.done $0x0  }
0x58: {  	s2 =	simm.s32 $0x0;
	[sflag:s0] =	ssyncadd.s32 $0xFFFFC000  }
0x59: {  	[tilespmem:s29], [sflag:$0x1] =	stream.indirect.gather [spmem:s3], $0x80, s2, s30, $0xb8;
	[tilespmem:$0x140F0] =	vst v63  }
0x5a: {  	s28 =	simm.s32 $0x80  }
0x5b: {  	[tilespmem:s7], [sflag:$0x2] =	stream.indirect.gather [spmem:s3], $0x80, s28, s30, $0xb8;
	[tilespmem:$0x140F0] =	vst v63  }
0x5c: {  	s18 =	simm.s32 $0x100  }
0x5d: {  	[tilespmem:s1], [sflag:$0x3] =	stream.indirect.gather [spmem:s3], $0x80, s18, s30, $0xb8;
	[tilespmem:$0x140F0] =	vst v63  }
0x5e: {  	s28 =	simm.s32 $0x180;
	s18 =	simm.s32 $0x1  }
0x5f: {  	[tilespmem:s26], [sflag:$0x4] =	stream.indirect.gather [spmem:s3], $0x80, s28, s30, $0xb8;
	[tilespmem:$0x140F0] =	vst v63  }
0x60: {  	_ =	swait.ge [sflag:s18], $0x2000  }
0x61: {  	[sflag:s18] =	ssyncset.done $0x0  }
0x62: {  	[sflag:s18] =	ssyncadd.s32 $0xFFFFE000;
	s18 =	rddreg [dreg:$0xc]  }
0x63: {  	[hbm4b:s18+s2] =	stream.linear.scatter [tilespmem:s29], [sflag:$0x9], $0x2000, $0x38;
	[tilespmem:$0x140F0] =	vst v63  }
0x64: {  	s28 =	simm.s32 $0x200  }
0x65: {  	[tilespmem:s9], [sflag:$0x5] =	stream.indirect.gather [spmem:s3], $0x80, s28, s30, $0xb8;
	[tilespmem:$0x140F0] =	vst v63  }
0x66: {  	_ =	swait.ge [sflag:s6], $0x2000  }
0x67: {  	[sflag:s6] =	ssyncset.done $0x0  }
0x68: {  	[sflag:s6] =	ssyncadd.s32 $0xFFFFE000;
	s6 =	rddreg [dreg:$0xd]  }
0x69: {  	[hbm4b:s6+s2] =	stream.linear.scatter [tilespmem:s7], [sflag:$0xA], $0x2000, $0x38;
	[tilespmem:$0x140F0] =	vst v63  }
0x6a: {  	s28 =	simm.s32 $0x280  }
0x6b: {  	[tilespmem:s11], [sflag:$0x6] =	stream.indirect.gather [spmem:s3], $0x80, s28, s30, $0xb8;
	[tilespmem:$0x140F0] =	vst v63  }
0x6c: {  	_ =	swait.ge [sflag:s10], $0x2000  }
0x6d: {  	[sflag:s10] =	ssyncset.done $0x0  }
0x6e: {  	s0 =	rddreg [dreg:$0xe];
	[sflag:s10] =	ssyncadd.s32 $0xFFFFE000  }
0x6f: {  	[hbm4b:s0+s2] =	stream.linear.scatter [tilespmem:s1], [sflag:$0xB], $0x2000, $0x38;
	[tilespmem:$0x140F0] =	vst v63  }
0x70: {  	s6 =	simm.s32 $0x300  }
0x71: {  	[tilespmem:s13], [sflag:$0x7] =	stream.indirect.gather [spmem:s3], $0x80, s6, s30, $0xb8;
	[tilespmem:$0x140F0] =	vst v63  }
0x72: {  	_ =	swait.ge [sflag:s12], $0x2000  }
0x73: {  	[sflag:s12] =	ssyncset.done $0x0  }
0x74: {  	s10 =	rddreg [dreg:$0xf];
	[sflag:s12] =	ssyncadd.s32 $0xFFFFE000  }
0x75: {  	[hbm4b:s10+s2] =	stream.linear.scatter [tilespmem:s26], [sflag:$0xC], $0x2000, $0x38;
	[tilespmem:$0x140F0] =	vst v63  }
0x76: {  	s12 =	simm.s32 $0x380  }
0x77: {  	[tilespmem:s5], [sflag:$0x8] =	stream.indirect.gather [spmem:s3], $0x80, s12, s30, $0xb8;
	[tilespmem:$0x140F0] =	vst v63  }
0x78: {  	_ =	swait.ge [sflag:s14], $0x2000  }
0x79: {  	[sflag:s14] =	ssyncset.done $0x0  }
0x7a: {  	[sflag:s14] =	ssyncadd.s32 $0xFFFFE000;
	s14 =	rddreg [dreg:$0x10]  }
0x7b: {  	[hbm4b:s14+s2] =	stream.linear.scatter [tilespmem:s9], [sflag:$0xD], $0x2000, $0x38;
	[tilespmem:$0x140F0] =	vst v63  }
0x7c: {  	_ =	swait.ge [sflag:s15], $0x2000  }
0x7d: {  	[sflag:s15] =	ssyncset.done $0x0  }
0x7e: {  	[sflag:s15] =	ssyncadd.s32 $0xFFFFE000;
	s15 =	simm.s32 $0x400  }
0x7f: {  	[tilespmem:s29], [sflag:$0x1] =	stream.indirect.gather [spmem:s3], $0x80, s15, s30, $0xb8;
	[tilespmem:$0x140F0] =	vst v63  }
0x80: {  	_ =	swait.ge [sflag:s16], $0x2000  }
0x81: {  	[sflag:s16] =	ssyncset.done $0x0  }
0x82: {  	[sflag:s16] =	ssyncadd.s32 $0xFFFFE000;
	s16 =	rddreg [dreg:$0x11]  }
0x83: {  	[hbm4b:s16+s2] =	stream.linear.scatter [tilespmem:s11], [sflag:$0xE], $0x2000, $0x38;
	[tilespmem:$0x140F0] =	vst v63  }
0x84: {  	_ =	swait.ge [sflag:s17], $0x2000  }
0x85: {  	[sflag:s17] =	ssyncset.done $0x0  }
0x86: {  	s18 =	simm.s32 $0x480;
	[sflag:s17] =	ssyncadd.s32 $0xFFFFE000  }
0x87: {  	[tilespmem:s7], [sflag:$0x2] =	stream.indirect.gather [spmem:s3], $0x80, s18, s30, $0xb8;
	[tilespmem:$0x140F0] =	vst v63  }
0x88: {  	_ =	swait.ge [sflag:s19], $0x2000  }
0x89: {  	[sflag:s19] =	ssyncset.done $0x0  }
0x8a: {  	[sflag:s19] =	ssyncadd.s32 $0xFFFFE000;
	s19 =	rddreg [dreg:$0x12]  }
0x8b: {  	[hbm4b:s19+s2] =	stream.linear.scatter [tilespmem:s13], [sflag:$0xF], $0x2000, $0x38;
	[tilespmem:$0x140F0] =	vst v63  }
0x8c: {  	_ =	swait.ge [sflag:s20], $0x2000  }
0x8d: {  	[sflag:s20] =	ssyncset.done $0x0  }
0x8e: {  	[sflag:s20] =	ssyncadd.s32 $0xFFFFE000;
	s20 =	simm.s32 $0x500  }
0x8f: {  	[tilespmem:s1], [sflag:$0x3] =	stream.indirect.gather [spmem:s3], $0x80, s20, s30, $0xb8;
	[tilespmem:$0x140F0] =	vst v63  }
0x90: {  	_ =	swait.ge [sflag:s21], $0x2000  }
0x91: {  	[sflag:s21] =	ssyncset.done $0x0  }
0x92: {  	[sflag:s21] =	ssyncadd.s32 $0xFFFFE000;
	s21 =	rddreg [dreg:$0x13]  }
0x93: {  	[hbm4b:s21+s2] =	stream.linear.scatter [tilespmem:s5], [sflag:$0x10], $0x2000, $0x38;
	[tilespmem:$0x140F0] =	vst v63  }
0x94: {  	_ =	swait.ge [sflag:s22], $0x2000  }
0x95: {  	[sflag:s22] =	ssyncset.done $0x0  }
0x96: {  	s28 =	simm.s32 $0x580;
	s0 =	simm.s32 $0x1;
	[sflag:s22] =	ssyncadd.s32 $0xFFFFE000  }
0x97: {  	[tilespmem:s26], [sflag:$0x4] =	stream.indirect.gather [spmem:s3], $0x80, s28, s30, $0xb8;
	[tilespmem:$0x140F0] =	vst v63  }
0x98: {  	_ =	swait.ge [sflag:s0], $0x2000  }
0x99: {  	[sflag:s0] =	ssyncset.done $0x0  }
0x9a: {  	s5 =	rddreg [dreg:$0x8];
	[sflag:s0] =	ssyncadd.s32 $0xFFFFE000  }
0x9b: {  	s28 =	rddreg [dreg:$0x2]  }
0x9c: {  	s2 =	sadd.s32 s28, s5  }
0x9d: {  	[hbm4b:s2+s4] =	stream.linear.scatter [tilespmem:s29], [sflag:$0x9], $0x2000, $0x38;
	[tilespmem:$0x140F0] =	vst v63  }
0x9e: {  	_ =	swait.ge [sflag:s24], $0x2000  }
0x9f: {  	[sflag:s24] =	ssyncset.done $0x0  }
0xa0: {  	s10 =	simm.s32 $0x2;
	s18 =	simm.s32 $0x600;
	[sflag:s24] =	ssyncadd.s32 $0xFFFFE000  }
0xa1: {  	[tilespmem:s9], [sflag:$0x5] =	stream.indirect.gather [spmem:s3], $0x80, s18, s30, $0xb8;
	[tilespmem:$0x140F0] =	vst v63  }
0xa2: {  	_ =	swait.ge [sflag:s10], $0x2000  }
0xa3: {  	s2 =	sadd.s32 s28, s31;
	[sflag:s10] =	ssyncset.done $0x0  }
0xa4: {  	s5 =	sadd.s32 $0x2400, s2;
	[sflag:s10] =	ssyncadd.s32 $0xFFFFE000  }
0xa5: {  	[hbm4b:s5+s4] =	stream.linear.scatter [tilespmem:s7], [sflag:$0xA], $0x2000, $0x38;
	[tilespmem:$0x140F0] =	vst v63  }
0xa6: {  	_ =	swait.ge [sflag:s25], $0x2000  }
0xa7: {  	[sflag:s25] =	ssyncset.done $0x0  }
0xa8: {  	s12 =	simm.s32 $0x3;
	s5 =	simm.s32 $0x680;
	[sflag:s25] =	ssyncadd.s32 $0xFFFFE000  }
0xa9: {  	[tilespmem:s11], [sflag:$0x6] =	stream.indirect.gather [spmem:s3], $0x80, s5, s30, $0xb8;
	[tilespmem:$0x140F0] =	vst v63  }
0xaa: {  	_ =	swait.ge [sflag:s12], $0x2000  }
0xab: {  	s5 =	rddreg [dreg:$0x5];
	[sflag:s12] =	ssyncset.done $0x0  }
0xac: {  	[sflag:s12] =	ssyncadd.s32 $0xFFFFE000;
	s18 =	sadd.s32 s28, s5  }
0xad: {  	[hbm4b:s18+s4] =	stream.linear.scatter [tilespmem:s1], [sflag:$0xB], $0x2000, $0x38;
	[tilespmem:$0x140F0] =	vst v63  }
0xae: {  	_ =	swait.ge [sflag:s8], $0x2000  }
0xaf: {  	[sflag:s8] =	ssyncset.done $0x0  }
0xb0: {  	s14 =	simm.s32 $0x4;
	s5 =	simm.s32 $0x700;
	[sflag:s8] =	ssyncadd.s32 $0xFFFFE000  }
0xb1: {  	[tilespmem:s13], [sflag:$0x7] =	stream.indirect.gather [spmem:s3], $0x80, s5, s30, $0xb8;
	[tilespmem:$0x140F0] =	vst v63  }
0xb2: {  	_ =	swait.ge [sflag:s14], $0x2000  }
0xb3: {  	[sflag:s14] =	ssyncset.done $0x0  }
0xb4: {  	s5 =	sadd.s32 $0x2C00, s2;
	[sflag:s14] =	ssyncadd.s32 $0xFFFFE000  }
0xb5: {  	[hbm4b:s5+s4] =	stream.linear.scatter [tilespmem:s26], [sflag:$0xC], $0x2000, $0x38;
	[tilespmem:$0x140F0] =	vst v63  }
0xb6: {  	s5 =	simm.s32 $0x10  }
0xb7: {  	_ =	swait.ge [sflag:s5], $0x2000  }
0xb8: {  	s6 =	simm.s32 $0x120F0;
	[sflag:s5] =	ssyncset.done $0x0  }
0xb9: {  	s15 =	simm.s32 $0x5;
	s26 =	simm.s32 $0x780;
	[sflag:s5] =	ssyncadd.s32 $0xFFFFE000  }
0xba: {  	[tilespmem:s6], [sflag:$0x8] =	stream.indirect.gather [spmem:s3], $0x80, s26, s30, $0xb8;
	[tilespmem:$0x140F0] =	vst v63  }
0xbb: {  	_ =	swait.ge [sflag:s15], $0x2000  }
0xbc: {  	s26 =	rddreg [dreg:$0x7];
	[sflag:s15] =	ssyncset.done $0x0  }
0xbd: {  	s16 =	simm.s32 $0x9;
	[sflag:s15] =	ssyncadd.s32 $0xFFFFE000;
	s18 =	sadd.s32 s28, s26  }
0xbe: {  	[hbm4b:s18+s4] =	stream.linear.scatter [tilespmem:s9], [sflag:$0xD], $0x2000, $0x38;
	[tilespmem:$0x140F0] =	vst v63  }
0xbf: {  	_ =	swait.ge [sflag:s16], $0x2000  }
0xc0: {  	[sflag:s16] =	ssyncset.done $0x0  }
0xc1: {  	s17 =	simm.s32 $0x6;
	s9 =	simm.s32 $0x800;
	[sflag:s16] =	ssyncadd.s32 $0xFFFFE000  }
0xc2: {  	[tilespmem:s29], [sflag:$0x1] =	stream.indirect.gather [spmem:s3], $0x80, s9, s30, $0xb8;
	[tilespmem:$0x140F0] =	vst v63  }
0xc3: {  	_ =	swait.ge [sflag:s17], $0x2000  }
0xc4: {  	[sflag:s17] =	ssyncset.done $0x0  }
0xc5: {  	s19 =	simm.s32 $0xA;
	s26 =	sadd.s32 $0x3400, s2;
	[sflag:s17] =	ssyncadd.s32 $0xFFFFE000  }
0xc6: {  	[hbm4b:s26+s4] =	stream.linear.scatter [tilespmem:s11], [sflag:$0xE], $0x2000, $0x38;
	[tilespmem:$0x140F0] =	vst v63  }
0xc7: {  	_ =	swait.ge [sflag:s19], $0x2000  }
0xc8: {  	[sflag:s19] =	ssyncset.done $0x0  }
0xc9: {  	s20 =	simm.s32 $0x7;
	s9 =	simm.s32 $0x880;
	[sflag:s19] =	ssyncadd.s32 $0xFFFFE000  }
0xca: {  	[tilespmem:s7], [sflag:$0x2] =	stream.indirect.gather [spmem:s3], $0x80, s9, s30, $0xb8;
	[tilespmem:$0x140F0] =	vst v63  }
0xcb: {  	_ =	swait.ge [sflag:s20], $0x2000  }
0xcc: {  	s11 =	rddreg [dreg:$0x6];
	[sflag:s20] =	ssyncset.done $0x0  }
0xcd: {  	s21 =	simm.s32 $0xB;
	[sflag:s20] =	ssyncadd.s32 $0xFFFFE000;
	s18 =	sadd.s32 s28, s11  }
0xce: {  	[hbm4b:s18+s4] =	stream.linear.scatter [tilespmem:s13], [sflag:$0xF], $0x2000, $0x38;
	[tilespmem:$0x140F0] =	vst v63  }
0xcf: {  	_ =	swait.ge [sflag:s21], $0x2000  }
0xd0: {  	[sflag:s21] =	ssyncset.done $0x0  }
0xd1: {  	s22 =	simm.s32 $0x8;
	s26 =	simm.s32 $0x900;
	[sflag:s21] =	ssyncadd.s32 $0xFFFFE000  }
0xd2: {  	[tilespmem:s1], [sflag:$0x3] =	stream.indirect.gather [spmem:s3], $0x80, s26, s30, $0xb8;
	[tilespmem:$0x140F0] =	vst v63  }
0xd3: {  	_ =	swait.ge [sflag:s22], $0x2000  }
0xd4: {  	[sflag:s22] =	ssyncset.done $0x0  }
0xd5: {  	s2 =	sadd.s32 $0x3C00, s2;
	[sflag:s22] =	ssyncadd.s32 $0xFFFFE000  }
0xd6: {  	[hbm4b:s2+s4] =	stream.linear.scatter [tilespmem:s6], [sflag:$0x10], $0x2000, $0x38;
	[tilespmem:$0x140F0] =	vst v63  }
0xd7: {  	s29 =	simm.s32 $0x1000;
	s7 =	simm.s32 $0x40F0;
	_ =	swait.ge [sflag:s23], $0x2000  }
0xd8: {  	s18 =	simm.s32 $0x980;
	s26 =	simm.s32 $0x80F0;
	[sflag:s23] =	ssyncset.done $0x0  }
0xd9: {  	s1 =	simm.s32 $0x60F0;
	s2 =	sadd.s32 $0x2000, s28;
	[sflag:s23] =	ssyncadd.s32 $0xFFFFE000  }
.LBB2_4:
0xda: {  	s6 =	simm.s32 $0xA0F0  }
0xdb: {  	[tilespmem:s6], [sflag:$0x4] =	stream.indirect.gather [spmem:s3], $0x80, s18, s30, $0xb8;
	[tilespmem:$0x140F0] =	vst v63  }
0xdc: {  	_ =	swait.ge [sflag:s0], $0x2000  }
0xdd: {  	s28 =	rddreg [dreg:$0x8];
	[sflag:s0] =	ssyncset.done $0x0  }
0xde: {  	[sflag:s0] =	ssyncadd.s32 $0xFFFFE000;
	s28 =	sadd.s32 s2, s28  }
0xdf: {  	[hbm4b:s28+s4] =	stream.linear.scatter [tilespmem:s7], [sflag:$0x9], $0x2000, $0x38;
	[tilespmem:$0x140F0] =	vst v63  }
0xe0: {  	s13 =	smov.u32 s29;
	_ =	swait.ge [sflag:s24], $0x2000  }
0xe1: {  	s28 =	sshra.s32 s13, $0x2;
	[sflag:s24] =	ssyncset.done $0x0  }
0xe2: {  	s9 =	simm.s32 $0xC0F0;
	s18 =	sadd.s32 $0x600, s28;
	[sflag:s24] =	ssyncadd.s32 $0xFFFFE000  }
0xe3: {  	[tilespmem:s9], [sflag:$0x5] =	stream.indirect.gather [spmem:s3], $0x80, s18, s30, $0xb8;
	[tilespmem:$0x140F0] =	vst v63  }
0xe4: {  	_ =	swait.ge [sflag:s10], $0x2000  }
0xe5: {  	s18 =	sadd.s32 s2, s31;
	[sflag:s10] =	ssyncset.done $0x0  }
0xe6: {  	s0 =	smov.u32 s31;
	s31 =	sadd.s32 $0x2400, s18;
	[sflag:s10] =	ssyncadd.s32 $0xFFFFE000  }
0xe7: {  	[hbm4b:s31+s4] =	stream.linear.scatter [tilespmem:s1], [sflag:$0xA], $0x2000, $0x38;
	[tilespmem:$0x140F0] =	vst v63  }
0xe8: {  	_ =	swait.ge [sflag:s25], $0x2000  }
0xe9: {  	[sflag:s25] =	ssyncset.done $0x0  }
0xea: {  	s11 =	simm.s32 $0xE0F0;
	s31 =	sadd.s32 $0x680, s28;
	[sflag:s25] =	ssyncadd.s32 $0xFFFFE000  }
0xeb: {  	[tilespmem:s11], [sflag:$0x6] =	stream.indirect.gather [spmem:s3], $0x80, s31, s30, $0xb8;
	[tilespmem:$0x140F0] =	vst v63  }
0xec: {  	_ =	swait.ge [sflag:s12], $0x2000  }
0xed: {  	s31 =	rddreg [dreg:$0x5];
	[sflag:s12] =	ssyncset.done $0x0  }
0xee: {  	[sflag:s12] =	ssyncadd.s32 $0xFFFFE000;
	s31 =	sadd.s32 s2, s31  }
0xef: {  	[hbm4b:s31+s4] =	stream.linear.scatter [tilespmem:s26], [sflag:$0xB], $0x2000, $0x38;
	[tilespmem:$0x140F0] =	vst v63  }
0xf0: {  	_ =	swait.ge [sflag:s8], $0x2000  }
0xf1: {  	[sflag:s8] =	ssyncset.done $0x0  }
0xf2: {  	s13 =	simm.s32 $0x100F0;
	s31 =	sadd.s32 $0x700, s28;
	[sflag:s8] =	ssyncadd.s32 $0xFFFFE000  }
0xf3: {  	[tilespmem:s13], [sflag:$0x7] =	stream.indirect.gather [spmem:s3], $0x80, s31, s30, $0xb8;
	[tilespmem:$0x140F0] =	vst v63  }
0xf4: {  	_ =	swait.ge [sflag:s14], $0x2000  }
0xf5: {  	[sflag:s14] =	ssyncset.done $0x0  }
0xf6: {  	s31 =	sadd.s32 $0x2C00, s18;
	[sflag:s14] =	ssyncadd.s32 $0xFFFFE000  }
0xf7: {  	[hbm4b:s31+s4] =	stream.linear.scatter [tilespmem:s6], [sflag:$0xC], $0x2000, $0x38;
	[tilespmem:$0x140F0] =	vst v63  }
0xf8: {  	_ =	swait.ge [sflag:s5], $0x2000  }
0xf9: {  	[sflag:s5] =	ssyncset.done $0x0  }
0xfa: {  	s31 =	sadd.s32 $0x780, s28;
	s6 =	simm.s32 $0x120F0;
	[sflag:s5] =	ssyncadd.s32 $0xFFFFE000  }
0xfb: {  	[tilespmem:s6], [sflag:$0x8] =	stream.indirect.gather [spmem:s3], $0x80, s31, s30, $0xb8;
	[tilespmem:$0x140F0] =	vst v63  }
0xfc: {  	_ =	swait.ge [sflag:s15], $0x2000  }
0xfd: {  	s31 =	rddreg [dreg:$0x7];
	[sflag:s15] =	ssyncset.done $0x0  }
0xfe: {  	[sflag:s15] =	ssyncadd.s32 $0xFFFFE000;
	s31 =	sadd.s32 s2, s31  }
0xff: {  	[hbm4b:s31+s4] =	stream.linear.scatter [tilespmem:s9], [sflag:$0xD], $0x2000, $0x38;
	[tilespmem:$0x140F0] =	vst v63  }
0x100: {  	_ =	swait.ge [sflag:s16], $0x2000  }
0x101: {  	[sflag:s16] =	ssyncset.done $0x0  }
0x102: {  	s31 =	sadd.s32 $0x800, s28;
	[sflag:s16] =	ssyncadd.s32 $0xFFFFE000  }
0x103: {  	[tilespmem:s7], [sflag:$0x1] =	stream.indirect.gather [spmem:s3], $0x80, s31, s30, $0xb8;
	[tilespmem:$0x140F0] =	vst v63  }
0x104: {  	_ =	swait.ge [sflag:s17], $0x2000  }
0x105: {  	[sflag:s17] =	ssyncset.done $0x0  }
0x106: {  	s31 =	sadd.s32 $0x3400, s18;
	[sflag:s17] =	ssyncadd.s32 $0xFFFFE000  }
0x107: {  	[hbm4b:s31+s4] =	stream.linear.scatter [tilespmem:s11], [sflag:$0xE], $0x2000, $0x38;
	[tilespmem:$0x140F0] =	vst v63  }
0x108: {  	_ =	swait.ge [sflag:s19], $0x2000  }
0x109: {  	[sflag:s19] =	ssyncset.done $0x0  }
0x10a: {  	s31 =	sadd.s32 $0x880, s28;
	[sflag:s19] =	ssyncadd.s32 $0xFFFFE000  }
0x10b: {  	[tilespmem:s1], [sflag:$0x2] =	stream.indirect.gather [spmem:s3], $0x80, s31, s30, $0xb8;
	[tilespmem:$0x140F0] =	vst v63  }
0x10c: {  	_ =	swait.ge [sflag:s20], $0x2000  }
0x10d: {  	s31 =	rddreg [dreg:$0x6];
	[sflag:s20] =	ssyncset.done $0x0  }
0x10e: {  	[sflag:s20] =	ssyncadd.s32 $0xFFFFE000;
	s31 =	sadd.s32 s2, s31  }
0x10f: {  	[hbm4b:s31+s4] =	stream.linear.scatter [tilespmem:s13], [sflag:$0xF], $0x2000, $0x38;
	[tilespmem:$0x140F0] =	vst v63  }
0x110: {  	_ =	swait.ge [sflag:s21], $0x2000  }
0x111: {  	[sflag:s21] =	ssyncset.done $0x0  }
0x112: {  	s31 =	sadd.s32 $0x900, s28;
	[sflag:s21] =	ssyncadd.s32 $0xFFFFE000  }
0x113: {  	[tilespmem:s26], [sflag:$0x3] =	stream.indirect.gather [spmem:s3], $0x80, s31, s30, $0xb8;
	[tilespmem:$0x140F0] =	vst v63  }
0x114: {  	_ =	swait.ge [sflag:s22], $0x2000  }
0x115: {  	p1 =	sne.s32 s29, $0xD000;
	[sflag:s22] =	ssyncset.done $0x0  }
.Ltmp1:
0x116: {  	s18 =	sadd.s32 $0x3C00, s18;
	[sflag:s22] =	ssyncadd.s32 $0xFFFFE000;
	(pc) =	sbr.rel @p1 .LBB2_4-.Ltmp1, $4  }
0x117: {  	[hbm4b:s18+s4] =	stream.linear.scatter [tilespmem:s6], [sflag:$0x10], $0x2000, $0x38;
	[tilespmem:$0x140F0] =	vst v63  }
0x118: {  	s29 =	sadd.s32 $0x1000, s29;
	_ =	swait.ge [sflag:s23], $0x2000  }
0x119: {  	s2 =	sadd.s32 $0x2000, s2;
	s31 =	smov.u32 s0;
	[sflag:s23] =	ssyncset.done $0x0  }
0x11a: {  	s0 =	simm.s32 $0x1;
	s18 =	sadd.s32 $0x980, s28;
	[sflag:s23] =	ssyncadd.s32 $0xFFFFE000  }
0x11b: {  	s9 =	simm.s32 $0xA0F0  }
0x11c: {  	[tilespmem:s9], [sflag:$0x4] =	stream.indirect.gather [spmem:s3], $0x80, s18, s30, $0xb8;
	[tilespmem:$0x140F0] =	vst v63  }
0x11d: {  	_ =	swait.ge [sflag:s0], $0x2000  }
0x11e: {  	[sflag:s0] =	ssyncset.done $0x0  }
0x11f: {  	s2 =	rddreg [dreg:$0x14];
	[sflag:s0] =	ssyncadd.s32 $0xFFFFE000  }
0x120: {  	[hbm4b:s2+s4] =	stream.linear.scatter [tilespmem:s7], [sflag:$0x9], $0x2000, $0x38;
	[tilespmem:$0x140F0] =	vst v63  }
0x121: {  	_ =	swait.ge [sflag:s24], $0x2000  }
0x122: {  	[sflag:s24] =	ssyncset.done $0x0  }
0x123: {  	s28 =	simm.s32 $0xC0F0;
	s18 =	simm.s32 $0x3E00;
	[sflag:s24] =	ssyncadd.s32 $0xFFFFE000  }
0x124: {  	[tilespmem:s28], [sflag:$0x5] =	stream.indirect.gather [spmem:s3], $0x80, s18, s30, $0xb8;
	[tilespmem:$0x140F0] =	vst v63  }
0x125: {  	_ =	swait.ge [sflag:s10], $0x2000  }
0x126: {  	[sflag:s10] =	ssyncset.done $0x0  }
0x127: {  	s0 =	rddreg [dreg:$0x15];
	[sflag:s10] =	ssyncadd.s32 $0xFFFFE000  }
0x128: {  	[hbm4b:s0+s4] =	stream.linear.scatter [tilespmem:s1], [sflag:$0xA], $0x2000, $0x38;
	[tilespmem:$0x140F0] =	vst v63  }
0x129: {  	_ =	swait.ge [sflag:s25], $0x2000  }
0x12a: {  	[sflag:s25] =	ssyncset.done $0x0  }
0x12b: {  	s6 =	simm.s32 $0xE0F0;
	s1 =	simm.s32 $0x3E80;
	[sflag:s25] =	ssyncadd.s32 $0xFFFFE000  }
0x12c: {  	[tilespmem:s6], [sflag:$0x6] =	stream.indirect.gather [spmem:s3], $0x80, s1, s30, $0xb8;
	[tilespmem:$0x140F0] =	vst v63  }
0x12d: {  	_ =	swait.ge [sflag:s12], $0x2000  }
0x12e: {  	[sflag:s12] =	ssyncset.done $0x0  }
0x12f: {  	s2 =	rddreg [dreg:$0x16];
	[sflag:s12] =	ssyncadd.s32 $0xFFFFE000  }
0x130: {  	[hbm4b:s2+s4] =	stream.linear.scatter [tilespmem:s26], [sflag:$0xB], $0x2000, $0x38;
	[tilespmem:$0x140F0] =	vst v63  }
0x131: {  	_ =	swait.ge [sflag:s8], $0x2000  }
0x132: {  	[sflag:s8] =	ssyncset.done $0x0  }
0x133: {  	s11 =	simm.s32 $0x100F0;
	s10 =	simm.s32 $0x3F00;
	[sflag:s8] =	ssyncadd.s32 $0xFFFFE000  }
0x134: {  	[tilespmem:s11], [sflag:$0x7] =	stream.indirect.gather [spmem:s3], $0x80, s10, s30, $0xb8;
	[tilespmem:$0x140F0] =	vst v63  }
0x135: {  	_ =	swait.ge [sflag:s14], $0x2000  }
0x136: {  	[sflag:s14] =	ssyncset.done $0x0  }
0x137: {  	s12 =	rddreg [dreg:$0x17];
	[sflag:s14] =	ssyncadd.s32 $0xFFFFE000  }
0x138: {  	[hbm4b:s12+s4] =	stream.linear.scatter [tilespmem:s9], [sflag:$0xC], $0x2000, $0x38;
	[tilespmem:$0x140F0] =	vst v63  }
0x139: {  	_ =	swait.ge [sflag:s5], $0x2000  }
0x13a: {  	[sflag:s5] =	ssyncset.done $0x0  }
0x13b: {  	s13 =	simm.s32 $0x3F80;
	s14 =	simm.s32 $0x120F0;
	[sflag:s5] =	ssyncadd.s32 $0xFFFFE000  }
0x13c: {  	[tilespmem:s14], [sflag:$0x8] =	stream.indirect.gather [spmem:s3], $0x80, s13, s30, $0xb8;
	[tilespmem:$0x140F0] =	vst v63  }
0x13d: {  	_ =	swait.ge [sflag:s15], $0x2000  }
0x13e: {  	[sflag:s15] =	ssyncset.done $0x0  }
0x13f: {  	[sflag:s15] =	ssyncadd.s32 $0xFFFFE000;
	s15 =	rddreg [dreg:$0x18]  }
0x140: {  	[hbm4b:s15+s4] =	stream.linear.scatter [tilespmem:s28], [sflag:$0xD], $0x2000, $0x38;
	[tilespmem:$0x140F0] =	vst v63  }
0x141: {  	_ =	swait.ge [sflag:s16], $0x2000  }
0x142: {  	[sflag:s16] =	ssyncset.done $0x0  }
0x143: {  	[sflag:s16] =	ssyncadd.s32 $0xFFFFE000  }
0x144: {  	_ =	swait.ge [sflag:s17], $0x2000  }
0x145: {  	[sflag:s17] =	ssyncset.done $0x0  }
0x146: {  	s18 =	rddreg [dreg:$0x19];
	[sflag:s17] =	ssyncadd.s32 $0xFFFFE000  }
0x147: {  	[hbm4b:s18+s4] =	stream.linear.scatter [tilespmem:s6], [sflag:$0xE], $0x2000, $0x38;
	[tilespmem:$0x140F0] =	vst v63  }
0x148: {  	_ =	swait.ge [sflag:s19], $0x2000  }
0x149: {  	[sflag:s19] =	ssyncset.done $0x0  }
0x14a: {  	[sflag:s19] =	ssyncadd.s32 $0xFFFFE000  }
0x14b: {  	_ =	swait.ge [sflag:s20], $0x2000  }
0x14c: {  	[sflag:s20] =	ssyncset.done $0x0  }
0x14d: {  	[sflag:s20] =	ssyncadd.s32 $0xFFFFE000;
	s20 =	rddreg [dreg:$0x1a]  }
0x14e: {  	[hbm4b:s20+s4] =	stream.linear.scatter [tilespmem:s11], [sflag:$0xF], $0x2000, $0x38;
	[tilespmem:$0x140F0] =	vst v63  }
0x14f: {  	_ =	swait.ge [sflag:s21], $0x2000  }
0x150: {  	[sflag:s21] =	ssyncset.done $0x0  }
0x151: {  	[sflag:s21] =	ssyncadd.s32 $0xFFFFE000  }
0x152: {  	_ =	swait.ge [sflag:s22], $0x2000  }
0x153: {  	[sflag:s22] =	ssyncset.done $0x0  }
0x154: {  	[sflag:s22] =	ssyncadd.s32 $0xFFFFE000;
	s22 =	rddreg [dreg:$0x1b]  }
0x155: {  	[hbm4b:s22+s4] =	stream.linear.scatter [tilespmem:s14], [sflag:$0x10], $0x2000, $0x38;
	[tilespmem:$0x140F0] =	vst v63  }
0x156: {  	_ =	swait.ge [sflag:s23], $0x2000  }
0x157: {  	[sflag:s23] =	ssyncset.done $0x0  }
0x158: {  	[sflag:s23] =	ssyncadd.s32 $0xFFFFE000  }
0x159: {  	_ =	swait.ge [sflag:s24], $0x2000  }
0x15a: {  	[sflag:s24] =	ssyncset.done $0x0  }
0x15b: {  	[sflag:s24] =	ssyncadd.s32 $0xFFFFE000  }
0x15c: {  	_ =	swait.ge [sflag:s25], $0x2000  }
0x15d: {  	[sflag:s25] =	ssyncset.done $0x0  }
0x15e: {  	[sflag:s25] =	ssyncadd.s32 $0xFFFFE000  }
0x15f: {  	_ =	swait.ge [sflag:s8], $0x2000  }
0x160: {  	[sflag:s8] =	ssyncset.done $0x0  }
0x161: {  	[sflag:s8] =	ssyncadd.s32 $0xFFFFE000  }
0x162: {  	s29 =	simm.s32 $0x40F0;
	s7 =	simm.s32 $0x60F0;
	_ =	swait.ge [sflag:s5], $0x2000  }
0x163: {  	s1 =	simm.s32 $0x80F0;
	s10 =	simm.s32 $0x3;
	s26 =	rddreg [dreg:$0x1d]  }
0x164: {  	s9 =	simm.s32 $0xC0F0;
	s28 =	rddreg [dreg:$0x1c];
	s2 =	sadd.s32 $0x1, s26  }
0x165: {  	s12 =	simm.s32 $0x4;
	s13 =	simm.s32 $0x100F0;
	p1 =	sne.s32 s2, s28  }
.Ltmp2:
0x166: {  	s15 =	simm.s32 $0x9;
	s16 =	simm.s32 $0x6;
	(pc) =	sbr.rel @p1 .LBB2_1-.Ltmp2, $4  }
0x167: {  	s17 =	simm.s32 $0xA;
	s6 =	simm.s32 $0x2;
	s19 =	simm.s32 $0x7  }
0x168: {  	s11 =	simm.s32 $0xE0F0;
	s20 =	simm.s32 $0xB;
	s21 =	simm.s32 $0x8  }
0x169: {  	s14 =	simm.s32 $0x5;
	s22 =	simm.s32 $0xC;
	[sflag:s5] =	ssyncset.done $0x0  }
0x16a: {  	[sflag:s5] =	ssyncadd.s32 $0xFFFFE000;
	s26 =	simm.s32 $0xA0F0;
	s5 =	simm.s32 $0x120F0  }
0x16b: {  	_ =	sfence.sel $0x180000  }
0x16c: {  	[bflag:$0x0] =	sbarrier.arrive $0xFFFF  }
0x16d: {  	_ =	strace $0x90000047  }
0x16e: {  	s0 =	stileid.u32;
	[bflag:$0x2] =	sbarrier.arrive $0xFFFF  }
0x16f: {  	p0 =	sne.s32 s0, $0x0;
	s0 =	rddreg [dreg:$0x4]  }
0x170: {  	s0 =	sadd.s32 @!p0 $0x100000, s0  }
0x171: {  	[sflag:s0] =	ssyncadd.tile.s32 @!p0 $0x1;
	_ =	shalt  }
.Lfunc_end2:
_tile_overlayer_lowered:
.L_overlay_start_2:
0x172: {  	(tag) =	ssettag $0x2  }
0x173: {  	s0 =	rddreg [dreg:$0x0];
	s2 =	stileid.u32  }
0x174: {  	s1 =	rddreg [dreg:$0x1];
	p0 =	sne.s32 s2, $0x0  }
0x175: {  	s3 =	rddreg [dreg:$0x2];
	[bflag:$0x3] =	sbarrier.arrive $0xFFFF;
	s2 =	simm.s32 @!p0 $0x1C12  }
0x176: {  	[timem:s3], [sflag:s2] =	dma.local @!p0 [hbm:s0], s1  }
0x177: {  	s0 =	simm.s32 @!p0 $0x12  }
0x178: {  	_ =	swait.ge @!p0 [sflag:s0], s1  }
0x179: {  	s1 =	ssub.s32 @!p0 $0x0, s1;
	[sflag:s0] =	ssyncset.done @!p0 $0x0  }
0x17a: {  	[sflag:s0] =	ssyncadd.s32 @!p0 s1  }
0x17b: {  	[bflag:$0x3] =	sbarrier.arrive $0xFFFF  }
0x17c: {  	_ =	shalt  }

</sc_bundles>
